<compile_context>
chip_gen: v7x
topology: tpu7x:2x2x1
jax: 0.10.2.dev20260603
libtpu: 0.0.44.dev20260713+nightly
codegen_flags: <defaults>
</compile_context>

<pallas_src>
import functools

import jax
import jax.numpy as jnp
from jax import lax
from jax.experimental import pallas as pl
from jax.experimental.pallas import tpu as pltpu
from jax.experimental.pallas import tpu_sc as plsc

N = 10000
E = 320000
NFEAT = 128
NHID = 128
NCAT = NFEAT + NHID

CHUNK = 128
NCHUNK = E // CHUNK
NC = 2
NS = 16
NW = NC * NS
BASE_CHUNKS = NCHUNK // NW
EXTRA_CHUNKS = NCHUNK - BASE_CHUNKS * NW
SLAB = (N // NS) // 8 * 8
TAIL = N - NS * SLAB

ROW_BLK = 5000
GRID = N // ROW_BLK



NBUF = 3


def _sc_agg_body(lay, support_hbm, adj_hbm, zeros_hbm, out_hbm,
                 idx0, idx1, idx2,
                 rows0, rows1, rows2, acc_sh,
                 sem_a0, sem_a1, sem_a2,
                 sem_g0, sem_g1, sem_g2, sem_s0, sem_s1, sem_s2):
    cid = lax.axis_index("c")
    sid = lax.axis_index("s")
    wid = sid * NC + cid
    idx = (idx0, idx1, idx2)
    rows = (rows0, rows1, rows2)
    sem_a = (sem_a0, sem_a1, sem_a2)
    sem_g = (sem_g0, sem_g1, sem_g2)
    sem_s = (sem_s0, sem_s1, sem_s2)

    cstart = wid * BASE_CHUNKS + jnp.minimum(wid, EXTRA_CHUNKS)

    def _issue_idx(kk, b):
        pltpu.async_copy(
            adj_hbm.at[lay, :, pl.ds((cstart + kk) * CHUNK, CHUNK)],
            idx[b], sem_a[b])

    def _issue_gather(b):
        pltpu.make_async_copy(
            adj_hbm.at[lay, :, pl.ds(0, CHUNK)], idx[b], sem_a[b]).wait()
        pltpu.async_copy(support_hbm.at[idx[b].at[0]], rows[b], sem_g[b])

    _issue_idx(0, 0)
    _issue_idx(1, 1)
    _issue_gather(0)

    pltpu.sync_copy(zeros_hbm, acc_sh.at[pl.ds(sid * SLAB, SLAB)])

    @pl.when(sid == 0)
    def _zero_tail():
        pltpu.sync_copy(zeros_hbm.at[pl.ds(0, TAIL)],
                        acc_sh.at[pl.ds(NS * SLAB, TAIL)])

    plsc.subcore_barrier()

    @pl.loop(0, BASE_CHUNKS, step=NBUF)
    def _ring(g):
        for b in range(NBUF):
            k = g + b
            b1 = (b + 1) % NBUF
            b2 = (b + 2) % NBUF

            @pl.when(k + 1 < BASE_CHUNKS)
            def _ahead_gather():
                _issue_gather(b1)

            @pl.when(k >= 1)
            def _drain():
                pltpu.make_async_copy(
                    rows[b2], acc_sh.at[idx[b2].at[1]], sem_s[b2]).wait()

            @pl.when(k + 2 < BASE_CHUNKS)
            def _ahead_idx():
                _issue_idx(k + 2, b2)

            pltpu.make_async_copy(support_hbm.at[idx[b].at[0]], rows[b],
                                  sem_g[b]).wait()
            pltpu.async_copy(rows[b], acc_sh.at[idx[b].at[1]], sem_s[b],
                             add=True)

    bl = (BASE_CHUNKS - 1) % NBUF
    pltpu.make_async_copy(rows[bl], acc_sh.at[idx[bl].at[1]], sem_s[bl]).wait()

    @pl.when(wid < EXTRA_CHUNKS)
    def _extra():
        chunk = cstart + BASE_CHUNKS
        pltpu.sync_copy(adj_hbm.at[lay, :, pl.ds(chunk * CHUNK, CHUNK)], idx0)
        pltpu.async_copy(support_hbm.at[idx0.at[0]], rows0, sem_g0).wait()
        pltpu.sync_copy(rows0, acc_sh.at[idx0.at[1]], add=True)

    plsc.subcore_barrier()

    pltpu.sync_copy(acc_sh.at[pl.ds(sid * SLAB, SLAB)],
                    out_hbm.at[cid, pl.ds(sid * SLAB, SLAB)])

    @pl.when(sid == 0)
    def _write_tail():
        pltpu.sync_copy(acc_sh.at[pl.ds(NS * SLAB, TAIL)],
                        out_hbm.at[cid, pl.ds(NS * SLAB, TAIL)])


def _make_sc_agg(lay):
    return pl.kernel(
        functools.partial(_sc_agg_body, lay),
        out_type=jax.ShapeDtypeStruct((NC, N, NFEAT), jnp.float32),
        mesh=plsc.VectorSubcoreMesh(core_axis_name="c", subcore_axis_name="s"),
        scratch_types=(
            [pltpu.VMEM((2, CHUNK), jnp.int32)] * 3
            + [pltpu.VMEM((CHUNK, NFEAT), jnp.float32)] * 3
            + [pltpu.VMEM_SHARED((N, NFEAT), jnp.float32)]
            + [pltpu.SemaphoreType.DMA] * 9
        ),
    )


_sc_agg0 = _make_sc_agg(0)
_sc_agg1 = _make_sc_agg(1)



def _pre_body(x_ref, w_ref, o_ref):
    o_ref[...] = jnp.dot(x_ref[...], w_ref[...],
                         preferred_element_type=jnp.float32,
                         precision=lax.Precision.DEFAULT)


_pre = pl.pallas_call(
    _pre_body,
    grid=(GRID,),
    in_specs=[
        pl.BlockSpec((ROW_BLK, NFEAT), lambda i: (i, 0)),
        pl.BlockSpec((NFEAT, NHID), lambda i: (0, 0)),
    ],
    out_specs=pl.BlockSpec((ROW_BLK, NHID), lambda i: (i, 0)),
    out_shape=jax.ShapeDtypeStruct((N, NHID), jnp.float32),
)


def _mid_body(acc_ref, b1_ref, w2_ref, o_ref):
    h = jax.nn.relu(acc_ref[0] + acc_ref[1] + b1_ref[...])
    o_ref[...] = jnp.dot(h, w2_ref[...], preferred_element_type=jnp.float32,
                         precision=lax.Precision.DEFAULT)


_mid = pl.pallas_call(
    _mid_body,
    grid=(GRID,),
    in_specs=[
        pl.BlockSpec((NC, ROW_BLK, NHID), lambda i: (0, i, 0)),
        pl.BlockSpec((1, NHID), lambda i: (0, 0)),
        pl.BlockSpec((NHID, NHID), lambda i: (0, 0)),
    ],
    out_specs=pl.BlockSpec((ROW_BLK, NHID), lambda i: (i, 0)),
    out_shape=jax.ShapeDtypeStruct((N, NHID), jnp.float32),
)


def _post_body(acc_ref, b2_ref, tf_ref, l1w_ref, l1b_ref, l2w_ref, l2b_ref,
               l3w_ref, l3b_ref, o_ref):
    out3 = acc_ref[0] + acc_ref[1] + b2_ref[...]
    cat = jnp.concatenate([out3, tf_ref[...]], axis=1)
    h = jax.nn.relu(jnp.dot(cat, l1w_ref[...],
                            preferred_element_type=jnp.float32,
                         precision=lax.Precision.DEFAULT) + l1b_ref[...])
    h = jax.nn.relu(jnp.dot(h, l2w_ref[...],
                            preferred_element_type=jnp.float32,
                         precision=lax.Precision.DEFAULT) + l2b_ref[...])
    o = jnp.dot(h, l3w_ref[...],
                preferred_element_type=jnp.float32,
                         precision=lax.Precision.DEFAULT) + l3b_ref[...]
    m = jnp.max(o, axis=1, keepdims=True)
    s = jnp.sum(jnp.exp(o - m), axis=1, keepdims=True)
    o_ref[...] = o - m - jnp.log(s)


_post = pl.pallas_call(
    _post_body,
    grid=(GRID,),
    in_specs=[
        pl.BlockSpec((NC, ROW_BLK, NHID), lambda i: (0, i, 0)),
        pl.BlockSpec((1, NHID), lambda i: (0, 0)),
        pl.BlockSpec((ROW_BLK, NFEAT), lambda i: (i, 0)),
        pl.BlockSpec((NCAT, NCAT), lambda i: (0, 0)),
        pl.BlockSpec((1, NCAT), lambda i: (0, 0)),
        pl.BlockSpec((NCAT, NCAT), lambda i: (0, 0)),
        pl.BlockSpec((1, NCAT), lambda i: (0, 0)),
        pl.BlockSpec((NCAT, NFEAT), lambda i: (0, 0)),
        pl.BlockSpec((1, NFEAT), lambda i: (0, 0)),
    ],
    out_specs=pl.BlockSpec((ROW_BLK, NFEAT), lambda i: (i, 0)),
    out_shape=jax.ShapeDtypeStruct((N, NFEAT), jnp.float32),
)


def kernel(x, target_feats, adj, W1, b1, W2, b2, L1W, L1b, L2W, L2b, L3W, L3b):
    zeros = jnp.zeros((SLAB, NFEAT), jnp.float32)

    support1 = _pre(x, W1)
    acc1 = _sc_agg0(support1, adj, zeros)
    support2 = _mid(acc1, b1.reshape(1, NHID), W2)
    acc2 = _sc_agg1(support2, adj, zeros)
    return _post(acc2, b2.reshape(1, NHID), target_feats,
                 L1W, L1b.reshape(1, NCAT), L2W, L2b.reshape(1, NCAT),
                 L3W, L3b.reshape(1, NFEAT))

# --- scband reference (transcript-rebuilt; emitter-appended) ---
"""Pipeline reference for scband-hybrid-method-53085795778708 (READ-ONLY COPY).

The authoritative reference and input builder live on the scoring server;
editing this copy changes nothing except your own understanding.
"""

import jax, jax.numpy as jnp
import numpy as np

N = 10000
E = 320000
NFEAT = 128
NHID = 128
NCAT = NFEAT + NHID


def setup_inputs(seed: int = 0) -> dict:
    key = jax.random.key(seed)
    ks = jax.random.split(key, 16)
    x = jax.random.normal(ks[0], (N, NFEAT), dtype=jnp.float32)
    target_feats = jax.random.normal(ks[1], (N, NFEAT), dtype=jnp.float32)
    # adj[0] and adj[1] are edge_index arrays [2, E] (row 0 = src, row 1 = dst)
    adj = jax.random.randint(ks[2], (2, 2, E), 0, N, dtype=jnp.int32)

    def mk(k, shape, fan_in):
        return (jax.random.normal(k, shape, dtype=jnp.float32) / np.sqrt(fan_in)).astype(jnp.float32)

    W1 = mk(ks[3], (NFEAT, NHID), NFEAT)
    b1 = jnp.zeros((NHID,), dtype=jnp.float32)
    W2 = mk(ks[4], (NHID, NHID), NHID)
    b2 = jnp.zeros((NHID,), dtype=jnp.float32)
    L1W = mk(ks[5], (NCAT, NCAT), NCAT)
    L1b = jnp.zeros((NCAT,), dtype=jnp.float32)
    L2W = mk(ks[6], (NCAT, NCAT), NCAT)
    L2b = jnp.zeros((NCAT,), dtype=jnp.float32)
    L3W = mk(ks[7], (NCAT, NFEAT), NCAT)
    L3b = jnp.zeros((NFEAT,), dtype=jnp.float32)
    return {"x": x, "target_feats": target_feats, "adj": adj,
            "W1": W1, "b1": b1, "W2": W2, "b2": b2,
            "L1W": L1W, "L1b": L1b, "L2W": L2W, "L2b": L2b,
            "L3W": L3W, "L3b": L3b}


def _gcn_layer(h, edge_index, W, b):
    # GraphConvolution: support = h @ W; out = A @ support + b
    # A applied as gather(src) -> scatter-add(dst)
    support = h @ W
    src = edge_index[0]
    dst = edge_index[1]
    msgs = jnp.take(support, src, axis=0)
    agg = jax.ops.segment_sum(msgs, dst, num_segments=h.shape[0])
    return agg + b


def reference(x, target_feats, adj, W1, b1, W2, b2, L1W, L1b, L2W, L2b, L3W, L3b):
    outputs1 = jax.nn.relu(_gcn_layer(x, adj[0], W1, b1))
    # dropout is identity in eval mode
    outputs2 = outputs1
    outputs3 = _gcn_layer(outputs2, adj[1], W2, b2)
    cat = jnp.concatenate([outputs3, target_feats], axis=1)
    outputs4 = jax.nn.relu(cat @ L1W + L1b)
    outputs5 = jax.nn.relu(outputs4 @ L2W + L2b)
    outputs6 = outputs5 @ L3W + L3b
    return jax.nn.log_softmax(outputs6, axis=1)

if __name__ == "__main__":
    import jax
    _d = setup_inputs()
    print(jax.jit(kernel)(*tuple(_d.values())))

</pallas_src>

<mosaic_0001>
#map = affine_map<(d0, d1) -> (0, 0)>
#map1 = affine_map<(d0, d1) -> (0, 0, 0)>
module attributes {stable_mosaic.version = 14 : i64} {
  func.func @_sc_agg_body(%arg0: i32, %arg1: i32, %arg2: memref<10000x128xf32, #tpu.memory_space<hbm>>, %arg3: memref<2x2x320000xi32, #tpu.memory_space<hbm>>, %arg4: memref<624x128xf32, #tpu.memory_space<hbm>>, %arg5: memref<2x10000x128xf32, #tpu.memory_space<hbm>>, %arg6: memref<2x128xi32, #tpu.memory_space<vmem>>, %arg7: memref<2x128xi32, #tpu.memory_space<vmem>>, %arg8: memref<2x128xi32, #tpu.memory_space<vmem>>, %arg9: memref<128x128xf32, #tpu.memory_space<vmem>>, %arg10: memref<128x128xf32, #tpu.memory_space<vmem>>, %arg11: memref<128x128xf32, #tpu.memory_space<vmem>>, %arg12: memref<10000x128xf32, #tpu.memory_space<vmem_shared>>, %arg13: memref<!tpu.dma_semaphore, #tpu.memory_space<semaphore_mem>>, %arg14: memref<!tpu.dma_semaphore, #tpu.memory_space<semaphore_mem>>, %arg15: memref<!tpu.dma_semaphore, #tpu.memory_space<semaphore_mem>>, %arg16: memref<!tpu.dma_semaphore, #tpu.memory_space<semaphore_mem>>, %arg17: memref<!tpu.dma_semaphore, #tpu.memory_space<semaphore_mem>>, %arg18: memref<!tpu.dma_semaphore, #tpu.memory_space<semaphore_mem>>, %arg19: memref<!tpu.dma_semaphore, #tpu.memory_space<semaphore_mem>>, %arg20: memref<!tpu.dma_semaphore, #tpu.memory_space<semaphore_mem>>, %arg21: memref<!tpu.dma_semaphore, #tpu.memory_space<semaphore_mem>>) attributes {dimension_semantics = [#tpu.dimension_semantics<core_parallel>, #tpu.dimension_semantics<subcore_parallel>], iteration_bounds = array<i64: 2, 16>, scalar_prefetch = 0 : i64, scratch_operands = 16 : i64, tpu.core_type = #tpu.core_type<sc_vector_subcore>, window_params = [{transform_indices = #map}, {transform_indices = #map1}, {transform_indices = #map}, {transform_indices = #map1}]} {
    %mul3A = arith.constant 2 : i32
    %mul3A_0 = arith.muli %arg1, %mul3A : i32
    %add3A = arith.addi %mul3A_0, %arg0 : i32
    %mul3A_1 = arith.constant 78 : i32
    %mul3A_2 = arith.muli %add3A, %mul3A_1 : i32
    %min3A = arith.constant 4 : i32
    %min3A_3 = arith.minsi %add3A, %min3A : i32
    %add3A_4 = arith.addi %mul3A_2, %min3A_3 : i32
    %add3A_5 = arith.constant 0 : i32
    %add3A_6 = arith.addi %add3A_4, %add3A_5 : i32
    %mul3A_7 = arith.constant 128 : i32
    %mul3A_8 = arith.muli %add3A_6, %mul3A_7 : i32
    %dma_start3A = arith.constant 0 : i32
    %dma_start3A_9 = arith.constant 0 : i32
    %dma_start3A_10 = tpu.memref_slice %arg3[%dma_start3A, %dma_start3A_9, %mul3A_8] : memref<2x2x320000xi32, #tpu.memory_space<hbm>> -> memref<1x2x128xi32, #tpu.memory_space<hbm>>
    %dma_start3A_11 = tpu.memref_squeeze %dma_start3A_10 : memref<1x2x128xi32, #tpu.memory_space<hbm>> -> memref<2x128xi32, #tpu.memory_space<hbm>>
    %dma_start3A_12 = arith.constant 0 : i32
    %dma_start3A_13 = tpu.memref_slice %arg3[%dma_start3A, %dma_start3A_12, %mul3A_8] : memref<2x2x320000xi32, #tpu.memory_space<hbm>> -> memref<1x2x128xi32, #tpu.memory_space<hbm>>
    %dma_start3A_14 = tpu.memref_squeeze %dma_start3A_13 : memref<1x2x128xi32, #tpu.memory_space<hbm>> -> memref<2x128xi32, #tpu.memory_space<hbm>>
    tpu.enqueue_dma source(%dma_start3A_14 : memref<2x128xi32, #tpu.memory_space<hbm>>) target(%arg6 : memref<2x128xi32, #tpu.memory_space<vmem>>) target_semaphore(%arg13 : memref<!tpu.dma_semaphore, #tpu.memory_space<semaphore_mem>>)
    %add3A_15 = arith.constant 1 : i32
    %add3A_16 = arith.addi %add3A_4, %add3A_15 : i32
    %mul3A_17 = arith.constant 128 : i32
    %mul3A_18 = arith.muli %add3A_16, %mul3A_17 : i32
    %dma_start3A_19 = arith.constant 0 : i32
    %dma_start3A_20 = arith.constant 0 : i32
    %dma_start3A_21 = tpu.memref_slice %arg3[%dma_start3A_19, %dma_start3A_20, %mul3A_18] : memref<2x2x320000xi32, #tpu.memory_space<hbm>> -> memref<1x2x128xi32, #tpu.memory_space<hbm>>
    %dma_start3A_22 = tpu.memref_squeeze %dma_start3A_21 : memref<1x2x128xi32, #tpu.memory_space<hbm>> -> memref<2x128xi32, #tpu.memory_space<hbm>>
    %dma_start3A_23 = arith.constant 0 : i32
    %dma_start3A_24 = tpu.memref_slice %arg3[%dma_start3A_19, %dma_start3A_23, %mul3A_18] : memref<2x2x320000xi32, #tpu.memory_space<hbm>> -> memref<1x2x128xi32, #tpu.memory_space<hbm>>
    %dma_start3A_25 = tpu.memref_squeeze %dma_start3A_24 : memref<1x2x128xi32, #tpu.memory_space<hbm>> -> memref<2x128xi32, #tpu.memory_space<hbm>>
    tpu.enqueue_dma source(%dma_start3A_25 : memref<2x128xi32, #tpu.memory_space<hbm>>) target(%arg7 : memref<2x128xi32, #tpu.memory_space<vmem>>) target_semaphore(%arg14 : memref<!tpu.dma_semaphore, #tpu.memory_space<semaphore_mem>>)
    %dma_wait3A = arith.constant 0 : i32
    %dma_wait3A_26 = arith.constant 0 : i32
    %dma_wait3A_27 = arith.constant 0 : i32
    %dma_wait3A_28 = tpu.memref_slice %arg3[%dma_wait3A, %dma_wait3A_26, %dma_wait3A_27] : memref<2x2x320000xi32, #tpu.memory_space<hbm>> -> memref<1x2x128xi32, #tpu.memory_space<hbm>>
    %dma_wait3A_29 = tpu.memref_squeeze %dma_wait3A_28 : memref<1x2x128xi32, #tpu.memory_space<hbm>> -> memref<2x128xi32, #tpu.memory_space<hbm>>
    %dma_wait3A_30 = arith.constant 0 : i32
    %dma_wait3A_31 = arith.constant 0 : i32
    %dma_wait3A_32 = tpu.memref_slice %arg3[%dma_wait3A, %dma_wait3A_30, %dma_wait3A_31] : memref<2x2x320000xi32, #tpu.memory_space<hbm>> -> memref<1x2x128xi32, #tpu.memory_space<hbm>>
    %dma_wait3A_33 = tpu.memref_squeeze %dma_wait3A_32 : memref<1x2x128xi32, #tpu.memory_space<hbm>> -> memref<2x128xi32, #tpu.memory_space<hbm>>
    tpu.wait_dma2 semaphore(%arg13 : memref<!tpu.dma_semaphore, #tpu.memory_space<semaphore_mem>>) src(%dma_wait3A_33 : memref<2x128xi32, #tpu.memory_space<hbm>>) dst(%arg6 : memref<2x128xi32, #tpu.memory_space<vmem>>)
    %dma_start3A_34 = arith.constant 0 : i32
    %dma_start3A_35 = arith.constant 0 : i32
    %dma_start3A_36 = tpu.memref_slice %arg6[%dma_start3A_34, %dma_start3A_35] : memref<2x128xi32, #tpu.memory_space<vmem>> -> memref<1x128xi32, #tpu.memory_space<vmem>>
    %dma_start3A_37 = tpu.memref_squeeze %dma_start3A_36 : memref<1x128xi32, #tpu.memory_space<vmem>> -> memref<128xi32, #tpu.memory_space<vmem>>
    %dma_start3A_38 = arith.constant 0 : i32
    %dma_start3A_39 = arith.constant 0 : i32
    %dma_start3A_40 = tpu.memref_slice %arg2[%dma_start3A_38, %dma_start3A_39] : memref<10000x128xf32, #tpu.memory_space<hbm>> -> memref<10000x128xf32, #tpu.memory_space<hbm>>
    tpu.enqueue_indirect_dma source(%dma_start3A_40 : memref<10000x128xf32, #tpu.memory_space<hbm>>) target(%arg9 : memref<128x128xf32, #tpu.memory_space<vmem>>) offsets(%dma_start3A_37 : memref<128xi32, #tpu.memory_space<vmem>>) semaphore(%arg16 : memref<!tpu.dma_semaphore, #tpu.memory_space<semaphore_mem>>)
    %mul3A_41 = arith.constant 624 : i32
    %mul3A_42 = arith.muli %arg1, %mul3A_41 : i32
    "tpu.region"() ({
      %run_scoped3A = tpu.sem_alloc : memref<!tpu.dma_semaphore, #tpu.memory_space<semaphore_mem>>
      %dma_start3A_70 = arith.constant 0 : i32
      %dma_start3A_71 = tpu.memref_slice %arg12[%mul3A_42, %dma_start3A_70] : memref<10000x128xf32, #tpu.memory_space<vmem_shared>> -> memref<624x128xf32, #tpu.memory_space<vmem_shared>>
      tpu.enqueue_dma source(%arg4 : memref<624x128xf32, #tpu.memory_space<hbm>>) target(%dma_start3A_71 : memref<624x128xf32, #tpu.memory_space<vmem_shared>>) target_semaphore(%run_scoped3A : memref<!tpu.dma_semaphore, #tpu.memory_space<semaphore_mem>>)
      %dma_wait3A_72 = arith.constant 0 : i32
      %dma_wait3A_73 = tpu.memref_slice %arg12[%mul3A_42, %dma_wait3A_72] : memref<10000x128xf32, #tpu.memory_space<vmem_shared>> -> memref<624x128xf32, #tpu.memory_space<vmem_shared>>
      tpu.wait_dma2 semaphore(%run_scoped3A : memref<!tpu.dma_semaphore, #tpu.memory_space<semaphore_mem>>) src(%arg4 : memref<624x128xf32, #tpu.memory_space<hbm>>) dst(%dma_wait3A_73 : memref<624x128xf32, #tpu.memory_space<vmem_shared>>)
      tpu.yield
    }) : () -> ()
    %eq3A = arith.constant 0 : i32
    %eq3A_43 = arith.cmpi eq, %arg1, %eq3A : i32
    %convert_element_type3A = arith.extui %eq3A_43 : i1 to i32
    %cond3A = arith.constant 0 : i32
    %cond3A_44 = arith.cmpi ne, %convert_element_type3A, %cond3A : i32
    scf.if %cond3A_44 {
      "tpu.region"() ({
        %run_scoped3A = tpu.sem_alloc : memref<!tpu.dma_semaphore, #tpu.memory_space<semaphore_mem>>
        %dma_start3A_70 = arith.constant 9984 : i32
        %dma_start3A_71 = arith.constant 0 : i32
        %dma_start3A_72 = tpu.memref_slice %arg12[%dma_start3A_70, %dma_start3A_71] : memref<10000x128xf32, #tpu.memory_space<vmem_shared>> -> memref<16x128xf32, #tpu.memory_space<vmem_shared>>
        %dma_start3A_73 = arith.constant 0 : i32
        %dma_start3A_74 = arith.constant 0 : i32
        %dma_start3A_75 = tpu.memref_slice %arg4[%dma_start3A_73, %dma_start3A_74] : memref<624x128xf32, #tpu.memory_space<hbm>> -> memref<16x128xf32, #tpu.memory_space<hbm>>
        tpu.enqueue_dma source(%dma_start3A_75 : memref<16x128xf32, #tpu.memory_space<hbm>>) target(%dma_start3A_72 : memref<16x128xf32, #tpu.memory_space<vmem_shared>>) target_semaphore(%run_scoped3A : memref<!tpu.dma_semaphore, #tpu.memory_space<semaphore_mem>>)
        %dma_wait3A_76 = arith.constant 9984 : i32
        %dma_wait3A_77 = arith.constant 0 : i32
        %dma_wait3A_78 = tpu.memref_slice %arg12[%dma_wait3A_76, %dma_wait3A_77] : memref<10000x128xf32, #tpu.memory_space<vmem_shared>> -> memref<16x128xf32, #tpu.memory_space<vmem_shared>>
        %dma_wait3A_79 = arith.constant 0 : i32
        %dma_wait3A_80 = arith.constant 0 : i32
        %dma_wait3A_81 = tpu.memref_slice %arg4[%dma_wait3A_79, %dma_wait3A_80] : memref<624x128xf32, #tpu.memory_space<hbm>> -> memref<16x128xf32, #tpu.memory_space<hbm>>
        tpu.wait_dma2 semaphore(%run_scoped3A : memref<!tpu.dma_semaphore, #tpu.memory_space<semaphore_mem>>) src(%dma_wait3A_81 : memref<16x128xf32, #tpu.memory_space<hbm>>) dst(%dma_wait3A_78 : memref<16x128xf32, #tpu.memory_space<vmem_shared>>)
        tpu.yield
      }) : () -> ()
    } else {
    }
    %barrier3A = arith.constant 0 : index
    tpu.barrier barrier_id(%barrier3A)
    %scan3A = arith.constant 0 : i32
    %scan3A_45 = arith.constant 26 : i32
    %scan3A_46 = arith.addi %scan3A, %scan3A_45 : i32
    %scan3A_47 = arith.constant 1 : i32
    scf.for %scan3A_70 = %scan3A to %scan3A_46 step %scan3A_47  : i32 {
      %mul3A_71 = arith.constant 3 : i32
      %mul3A_72 = arith.muli %scan3A_70, %mul3A_71 : i32
      %add3A_73 = arith.constant 0 : i32
      %add3A_74 = arith.addi %add3A_73, %mul3A_72 : i32
      %add3A_75 = arith.constant 0 : i32
      %add3A_76 = arith.addi %add3A_74, %add3A_75 : i32
      %add3A_77 = arith.constant 1 : i32
      %add3A_78 = arith.addi %add3A_76, %add3A_77 : i32
      %lt3A_79 = arith.constant 78 : i32
      %lt3A_80 = arith.cmpi slt, %add3A_78, %lt3A_79 : i32
      %convert_element_type3A_81 = arith.extui %lt3A_80 : i1 to i32
      %cond3A_82 = arith.constant 0 : i32
      %cond3A_83 = arith.cmpi ne, %convert_element_type3A_81, %cond3A_82 : i32
      scf.if %cond3A_83 {
        %dma_wait3A_179 = arith.constant 0 : i32
        %dma_wait3A_180 = arith.constant 0 : i32
        %dma_wait3A_181 = arith.constant 0 : i32
        %dma_wait3A_182 = tpu.memref_slice %arg3[%dma_wait3A_179, %dma_wait3A_180, %dma_wait3A_181] : memref<2x2x320000xi32, #tpu.memory_space<hbm>> -> memref<1x2x128xi32, #tpu.memory_space<hbm>>
        %dma_wait3A_183 = tpu.memref_squeeze %dma_wait3A_182 : memref<1x2x128xi32, #tpu.memory_space<hbm>> -> memref<2x128xi32, #tpu.memory_space<hbm>>
        %dma_wait3A_184 = arith.constant 0 : i32
        %dma_wait3A_185 = arith.constant 0 : i32
        %dma_wait3A_186 = tpu.memref_slice %arg3[%dma_wait3A_179, %dma_wait3A_184, %dma_wait3A_185] : memref<2x2x320000xi32, #tpu.memory_space<hbm>> -> memref<1x2x128xi32, #tpu.memory_space<hbm>>
        %dma_wait3A_187 = tpu.memref_squeeze %dma_wait3A_186 : memref<1x2x128xi32, #tpu.memory_space<hbm>> -> memref<2x128xi32, #tpu.memory_space<hbm>>
        tpu.wait_dma2 semaphore(%arg14 : memref<!tpu.dma_semaphore, #tpu.memory_space<semaphore_mem>>) src(%dma_wait3A_187 : memref<2x128xi32, #tpu.memory_space<hbm>>) dst(%arg7 : memref<2x128xi32, #tpu.memory_space<vmem>>)
        %dma_start3A_188 = arith.constant 0 : i32
        %dma_start3A_189 = arith.constant 0 : i32
        %dma_start3A_190 = tpu.memref_slice %arg7[%dma_start3A_188, %dma_start3A_189] : memref<2x128xi32, #tpu.memory_space<vmem>> -> memref<1x128xi32, #tpu.memory_space<vmem>>
        %dma_start3A_191 = tpu.memref_squeeze %dma_start3A_190 : memref<1x128xi32, #tpu.memory_space<vmem>> -> memref<128xi32, #tpu.memory_space<vmem>>
        %dma_start3A_192 = arith.constant 0 : i32
        %dma_start3A_193 = arith.constant 0 : i32
        %dma_start3A_194 = tpu.memref_slice %arg2[%dma_start3A_192, %dma_start3A_193] : memref<10000x128xf32, #tpu.memory_space<hbm>> -> memref<10000x128xf32, #tpu.memory_space<hbm>>
        tpu.enqueue_indirect_dma source(%dma_start3A_194 : memref<10000x128xf32, #tpu.memory_space<hbm>>) target(%arg10 : memref<128x128xf32, #tpu.memory_space<vmem>>) offsets(%dma_start3A_191 : memref<128xi32, #tpu.memory_space<vmem>>) semaphore(%arg17 : memref<!tpu.dma_semaphore, #tpu.memory_space<semaphore_mem>>)
      } else {
      }
      %ge3A = arith.constant 1 : i32
      %ge3A_84 = arith.cmpi sge, %add3A_76, %ge3A : i32
      %convert_element_type3A_85 = arith.extui %ge3A_84 : i1 to i32
      %cond3A_86 = arith.constant 0 : i32
      %cond3A_87 = arith.cmpi ne, %convert_element_type3A_85, %cond3A_86 : i32
      scf.if %cond3A_87 {
        %dma_wait3A_179 = arith.constant 1 : i32
        %dma_wait3A_180 = arith.constant 0 : i32
        %dma_wait3A_181 = tpu.memref_slice %arg8[%dma_wait3A_179, %dma_wait3A_180] : memref<2x128xi32, #tpu.memory_space<vmem>> -> memref<1x128xi32, #tpu.memory_space<vmem>>
        %dma_wait3A_182 = tpu.memref_squeeze %dma_wait3A_181 : memref<1x128xi32, #tpu.memory_space<vmem>> -> memref<128xi32, #tpu.memory_space<vmem>>
        %dma_wait3A_183 = arith.constant 0 : i32
        %dma_wait3A_184 = arith.constant 0 : i32
        %dma_wait3A_185 = tpu.memref_slice %arg12[%dma_wait3A_183, %dma_wait3A_184] : memref<10000x128xf32, #tpu.memory_space<vmem_shared>> -> memref<10000x128xf32, #tpu.memory_space<vmem_shared>>
        tpu.wait_indirect_dma semaphore(%arg21 : memref<!tpu.dma_semaphore, #tpu.memory_space<semaphore_mem>>) src(%arg11 : memref<128x128xf32, #tpu.memory_space<vmem>>) dst(%dma_wait3A_185 : memref<10000x128xf32, #tpu.memory_space<vmem_shared>>)
      } else {
      }
      %add3A_88 = arith.constant 2 : i32
      %add3A_89 = arith.addi %add3A_76, %add3A_88 : i32
      %lt3A_90 = arith.constant 78 : i32
      %lt3A_91 = arith.cmpi slt, %add3A_89, %lt3A_90 : i32
      %convert_element_type3A_92 = arith.extui %lt3A_91 : i1 to i32
      %cond3A_93 = arith.constant 0 : i32
      %cond3A_94 = arith.cmpi ne, %convert_element_type3A_92, %cond3A_93 : i32
      scf.if %cond3A_94 {
        %add3A_179 = arith.constant 2 : i32
        %add3A_180 = arith.addi %add3A_76, %add3A_179 : i32
        %add3A_181 = arith.addi %add3A_4, %add3A_180 : i32
        %mul3A_182 = arith.constant 128 : i32
        %mul3A_183 = arith.muli %add3A_181, %mul3A_182 : i32
        %dma_start3A_184 = arith.constant 0 : i32
        %dma_start3A_185 = arith.constant 0 : i32
        %dma_start3A_186 = tpu.memref_slice %arg3[%dma_start3A_184, %dma_start3A_185, %mul3A_183] : memref<2x2x320000xi32, #tpu.memory_space<hbm>> -> memref<1x2x128xi32, #tpu.memory_space<hbm>>
        %dma_start3A_187 = tpu.memref_squeeze %dma_start3A_186 : memref<1x2x128xi32, #tpu.memory_space<hbm>> -> memref<2x128xi32, #tpu.memory_space<hbm>>
        %dma_start3A_188 = arith.constant 0 : i32
        %dma_start3A_189 = tpu.memref_slice %arg3[%dma_start3A_184, %dma_start3A_188, %mul3A_183] : memref<2x2x320000xi32, #tpu.memory_space<hbm>> -> memref<1x2x128xi32, #tpu.memory_space<hbm>>
        %dma_start3A_190 = tpu.memref_squeeze %dma_start3A_189 : memref<1x2x128xi32, #tpu.memory_space<hbm>> -> memref<2x128xi32, #tpu.memory_space<hbm>>
        tpu.enqueue_dma source(%dma_start3A_190 : memref<2x128xi32, #tpu.memory_space<hbm>>) target(%arg8 : memref<2x128xi32, #tpu.memory_space<vmem>>) target_semaphore(%arg15 : memref<!tpu.dma_semaphore, #tpu.memory_space<semaphore_mem>>)
      } else {
      }
      %dma_wait3A_95 = arith.constant 0 : i32
      %dma_wait3A_96 = arith.constant 0 : i32
      %dma_wait3A_97 = tpu.memref_slice %arg6[%dma_wait3A_95, %dma_wait3A_96] : memref<2x128xi32, #tpu.memory_space<vmem>> -> memref<1x128xi32, #tpu.memory_space<vmem>>
      %dma_wait3A_98 = tpu.memref_squeeze %dma_wait3A_97 : memref<1x128xi32, #tpu.memory_space<vmem>> -> memref<128xi32, #tpu.memory_space<vmem>>
      %dma_wait3A_99 = arith.constant 0 : i32
      %dma_wait3A_100 = arith.constant 0 : i32
      %dma_wait3A_101 = tpu.memref_slice %arg2[%dma_wait3A_99, %dma_wait3A_100] : memref<10000x128xf32, #tpu.memory_space<hbm>> -> memref<10000x128xf32, #tpu.memory_space<hbm>>
      tpu.wait_indirect_dma semaphore(%arg16 : memref<!tpu.dma_semaphore, #tpu.memory_space<semaphore_mem>>) src(%dma_wait3A_101 : memref<10000x128xf32, #tpu.memory_space<hbm>>) dst(%arg9 : memref<128x128xf32, #tpu.memory_space<vmem>>)
      %dma_start3A_102 = arith.constant 1 : i32
      %dma_start3A_103 = arith.constant 0 : i32
      %dma_start3A_104 = tpu.memref_slice %arg6[%dma_start3A_102, %dma_start3A_103] : memref<2x128xi32, #tpu.memory_space<vmem>> -> memref<1x128xi32, #tpu.memory_space<vmem>>
      %dma_start3A_105 = tpu.memref_squeeze %dma_start3A_104 : memref<1x128xi32, #tpu.memory_space<vmem>> -> memref<128xi32, #tpu.memory_space<vmem>>
      %dma_start3A_106 = arith.constant 0 : i32
      %dma_start3A_107 = arith.constant 0 : i32
      %dma_start3A_108 = tpu.memref_slice %arg12[%dma_start3A_106, %dma_start3A_107] : memref<10000x128xf32, #tpu.memory_space<vmem_shared>> -> memref<10000x128xf32, #tpu.memory_space<vmem_shared>>
      tpu.enqueue_indirect_dma source(%arg9 : memref<128x128xf32, #tpu.memory_space<vmem>>) target(%dma_start3A_108 : memref<10000x128xf32, #tpu.memory_space<vmem_shared>>) offsets(%dma_start3A_105 : memref<128xi32, #tpu.memory_space<vmem>>) semaphore(%arg19 : memref<!tpu.dma_semaphore, #tpu.memory_space<semaphore_mem>>) {add = true}
      %add3A_109 = arith.constant 1 : i32
      %add3A_110 = arith.addi %add3A_74, %add3A_109 : i32
      %add3A_111 = arith.constant 1 : i32
      %add3A_112 = arith.addi %add3A_110, %add3A_111 : i32
      %lt3A_113 = arith.constant 78 : i32
      %lt3A_114 = arith.cmpi slt, %add3A_112, %lt3A_113 : i32
      %convert_element_type3A_115 = arith.extui %lt3A_114 : i1 to i32
      %cond3A_116 = arith.constant 0 : i32
      %cond3A_117 = arith.cmpi ne, %convert_element_type3A_115, %cond3A_116 : i32
      scf.if %cond3A_117 {
        %dma_wait3A_179 = arith.constant 0 : i32
        %dma_wait3A_180 = arith.constant 0 : i32
        %dma_wait3A_181 = arith.constant 0 : i32
        %dma_wait3A_182 = tpu.memref_slice %arg3[%dma_wait3A_179, %dma_wait3A_180, %dma_wait3A_181] : memref<2x2x320000xi32, #tpu.memory_space<hbm>> -> memref<1x2x128xi32, #tpu.memory_space<hbm>>
        %dma_wait3A_183 = tpu.memref_squeeze %dma_wait3A_182 : memref<1x2x128xi32, #tpu.memory_space<hbm>> -> memref<2x128xi32, #tpu.memory_space<hbm>>
        %dma_wait3A_184 = arith.constant 0 : i32
        %dma_wait3A_185 = arith.constant 0 : i32
        %dma_wait3A_186 = tpu.memref_slice %arg3[%dma_wait3A_179, %dma_wait3A_184, %dma_wait3A_185] : memref<2x2x320000xi32, #tpu.memory_space<hbm>> -> memref<1x2x128xi32, #tpu.memory_space<hbm>>
        %dma_wait3A_187 = tpu.memref_squeeze %dma_wait3A_186 : memref<1x2x128xi32, #tpu.memory_space<hbm>> -> memref<2x128xi32, #tpu.memory_space<hbm>>
        tpu.wait_dma2 semaphore(%arg15 : memref<!tpu.dma_semaphore, #tpu.memory_space<semaphore_mem>>) src(%dma_wait3A_187 : memref<2x128xi32, #tpu.memory_space<hbm>>) dst(%arg8 : memref<2x128xi32, #tpu.memory_space<vmem>>)
        %dma_start3A_188 = arith.constant 0 : i32
        %dma_start3A_189 = arith.constant 0 : i32
        %dma_start3A_190 = tpu.memref_slice %arg8[%dma_start3A_188, %dma_start3A_189] : memref<2x128xi32, #tpu.memory_space<vmem>> -> memref<1x128xi32, #tpu.memory_space<vmem>>
        %dma_start3A_191 = tpu.memref_squeeze %dma_start3A_190 : memref<1x128xi32, #tpu.memory_space<vmem>> -> memref<128xi32, #tpu.memory_space<vmem>>
        %dma_start3A_192 = arith.constant 0 : i32
        %dma_start3A_193 = arith.constant 0 : i32
        %dma_start3A_194 = tpu.memref_slice %arg2[%dma_start3A_192, %dma_start3A_193] : memref<10000x128xf32, #tpu.memory_space<hbm>> -> memref<10000x128xf32, #tpu.memory_space<hbm>>
        tpu.enqueue_indirect_dma source(%dma_start3A_194 : memref<10000x128xf32, #tpu.memory_space<hbm>>) target(%arg11 : memref<128x128xf32, #tpu.memory_space<vmem>>) offsets(%dma_start3A_191 : memref<128xi32, #tpu.memory_space<vmem>>) semaphore(%arg18 : memref<!tpu.dma_semaphore, #tpu.memory_space<semaphore_mem>>)
      } else {
      }
      %ge3A_118 = arith.constant 1 : i32
      %ge3A_119 = arith.cmpi sge, %add3A_110, %ge3A_118 : i32
      %convert_element_type3A_120 = arith.extui %ge3A_119 : i1 to i32
      %cond3A_121 = arith.constant 0 : i32
      %cond3A_122 = arith.cmpi ne, %convert_element_type3A_120, %cond3A_121 : i32
      scf.if %cond3A_122 {
        %dma_wait3A_179 = arith.constant 1 : i32
        %dma_wait3A_180 = arith.constant 0 : i32
        %dma_wait3A_181 = tpu.memref_slice %arg6[%dma_wait3A_179, %dma_wait3A_180] : memref<2x128xi32, #tpu.memory_space<vmem>> -> memref<1x128xi32, #tpu.memory_space<vmem>>
        %dma_wait3A_182 = tpu.memref_squeeze %dma_wait3A_181 : memref<1x128xi32, #tpu.memory_space<vmem>> -> memref<128xi32, #tpu.memory_space<vmem>>
        %dma_wait3A_183 = arith.constant 0 : i32
        %dma_wait3A_184 = arith.constant 0 : i32
        %dma_wait3A_185 = tpu.memref_slice %arg12[%dma_wait3A_183, %dma_wait3A_184] : memref<10000x128xf32, #tpu.memory_space<vmem_shared>> -> memref<10000x128xf32, #tpu.memory_space<vmem_shared>>
        tpu.wait_indirect_dma semaphore(%arg19 : memref<!tpu.dma_semaphore, #tpu.memory_space<semaphore_mem>>) src(%arg9 : memref<128x128xf32, #tpu.memory_space<vmem>>) dst(%dma_wait3A_185 : memref<10000x128xf32, #tpu.memory_space<vmem_shared>>)
      } else {
      }
      %add3A_123 = arith.constant 2 : i32
      %add3A_124 = arith.addi %add3A_110, %add3A_123 : i32
      %lt3A_125 = arith.constant 78 : i32
      %lt3A_126 = arith.cmpi slt, %add3A_124, %lt3A_125 : i32
      %convert_element_type3A_127 = arith.extui %lt3A_126 : i1 to i32
      %cond3A_128 = arith.constant 0 : i32
      %cond3A_129 = arith.cmpi ne, %convert_element_type3A_127, %cond3A_128 : i32
      scf.if %cond3A_129 {
        %add3A_179 = arith.constant 2 : i32
        %add3A_180 = arith.addi %add3A_110, %add3A_179 : i32
        %add3A_181 = arith.addi %add3A_4, %add3A_180 : i32
        %mul3A_182 = arith.constant 128 : i32
        %mul3A_183 = arith.muli %add3A_181, %mul3A_182 : i32
        %dma_start3A_184 = arith.constant 0 : i32
        %dma_start3A_185 = arith.constant 0 : i32
        %dma_start3A_186 = tpu.memref_slice %arg3[%dma_start3A_184, %dma_start3A_185, %mul3A_183] : memref<2x2x320000xi32, #tpu.memory_space<hbm>> -> memref<1x2x128xi32, #tpu.memory_space<hbm>>
        %dma_start3A_187 = tpu.memref_squeeze %dma_start3A_186 : memref<1x2x128xi32, #tpu.memory_space<hbm>> -> memref<2x128xi32, #tpu.memory_space<hbm>>
        %dma_start3A_188 = arith.constant 0 : i32
        %dma_start3A_189 = tpu.memref_slice %arg3[%dma_start3A_184, %dma_start3A_188, %mul3A_183] : memref<2x2x320000xi32, #tpu.memory_space<hbm>> -> memref<1x2x128xi32, #tpu.memory_space<hbm>>
        %dma_start3A_190 = tpu.memref_squeeze %dma_start3A_189 : memref<1x2x128xi32, #tpu.memory_space<hbm>> -> memref<2x128xi32, #tpu.memory_space<hbm>>
        tpu.enqueue_dma source(%dma_start3A_190 : memref<2x128xi32, #tpu.memory_space<hbm>>) target(%arg6 : memref<2x128xi32, #tpu.memory_space<vmem>>) target_semaphore(%arg13 : memref<!tpu.dma_semaphore, #tpu.memory_space<semaphore_mem>>)
      } else {
      }
      %dma_wait3A_130 = arith.constant 0 : i32
      %dma_wait3A_131 = arith.constant 0 : i32
      %dma_wait3A_132 = tpu.memref_slice %arg7[%dma_wait3A_130, %dma_wait3A_131] : memref<2x128xi32, #tpu.memory_space<vmem>> -> memref<1x128xi32, #tpu.memory_space<vmem>>
      %dma_wait3A_133 = tpu.memref_squeeze %dma_wait3A_132 : memref<1x128xi32, #tpu.memory_space<vmem>> -> memref<128xi32, #tpu.memory_space<vmem>>
      %dma_wait3A_134 = arith.constant 0 : i32
      %dma_wait3A_135 = arith.constant 0 : i32
      %dma_wait3A_136 = tpu.memref_slice %arg2[%dma_wait3A_134, %dma_wait3A_135] : memref<10000x128xf32, #tpu.memory_space<hbm>> -> memref<10000x128xf32, #tpu.memory_space<hbm>>
      tpu.wait_indirect_dma semaphore(%arg17 : memref<!tpu.dma_semaphore, #tpu.memory_space<semaphore_mem>>) src(%dma_wait3A_136 : memref<10000x128xf32, #tpu.memory_space<hbm>>) dst(%arg10 : memref<128x128xf32, #tpu.memory_space<vmem>>)
      %dma_start3A_137 = arith.constant 1 : i32
      %dma_start3A_138 = arith.constant 0 : i32
      %dma_start3A_139 = tpu.memref_slice %arg7[%dma_start3A_137, %dma_start3A_138] : memref<2x128xi32, #tpu.memory_space<vmem>> -> memref<1x128xi32, #tpu.memory_space<vmem>>
      %dma_start3A_140 = tpu.memref_squeeze %dma_start3A_139 : memref<1x128xi32, #tpu.memory_space<vmem>> -> memref<128xi32, #tpu.memory_space<vmem>>
      %dma_start3A_141 = arith.constant 0 : i32
      %dma_start3A_142 = arith.constant 0 : i32
      %dma_start3A_143 = tpu.memref_slice %arg12[%dma_start3A_141, %dma_start3A_142] : memref<10000x128xf32, #tpu.memory_space<vmem_shared>> -> memref<10000x128xf32, #tpu.memory_space<vmem_shared>>
      tpu.enqueue_indirect_dma source(%arg10 : memref<128x128xf32, #tpu.memory_space<vmem>>) target(%dma_start3A_143 : memref<10000x128xf32, #tpu.memory_space<vmem_shared>>) offsets(%dma_start3A_140 : memref<128xi32, #tpu.memory_space<vmem>>) semaphore(%arg20 : memref<!tpu.dma_semaphore, #tpu.memory_space<semaphore_mem>>) {add = true}
      %add3A_144 = arith.constant 2 : i32
      %add3A_145 = arith.addi %add3A_74, %add3A_144 : i32
      %add3A_146 = arith.constant 1 : i32
      %add3A_147 = arith.addi %add3A_145, %add3A_146 : i32
      %lt3A_148 = arith.constant 78 : i32
      %lt3A_149 = arith.cmpi slt, %add3A_147, %lt3A_148 : i32
      %convert_element_type3A_150 = arith.extui %lt3A_149 : i1 to i32
      %cond3A_151 = arith.constant 0 : i32
      %cond3A_152 = arith.cmpi ne, %convert_element_type3A_150, %cond3A_151 : i32
      scf.if %cond3A_152 {
        %dma_wait3A_179 = arith.constant 0 : i32
        %dma_wait3A_180 = arith.constant 0 : i32
        %dma_wait3A_181 = arith.constant 0 : i32
        %dma_wait3A_182 = tpu.memref_slice %arg3[%dma_wait3A_179, %dma_wait3A_180, %dma_wait3A_181] : memref<2x2x320000xi32, #tpu.memory_space<hbm>> -> memref<1x2x128xi32, #tpu.memory_space<hbm>>
        %dma_wait3A_183 = tpu.memref_squeeze %dma_wait3A_182 : memref<1x2x128xi32, #tpu.memory_space<hbm>> -> memref<2x128xi32, #tpu.memory_space<hbm>>
        %dma_wait3A_184 = arith.constant 0 : i32
        %dma_wait3A_185 = arith.constant 0 : i32
        %dma_wait3A_186 = tpu.memref_slice %arg3[%dma_wait3A_179, %dma_wait3A_184, %dma_wait3A_185] : memref<2x2x320000xi32, #tpu.memory_space<hbm>> -> memref<1x2x128xi32, #tpu.memory_space<hbm>>
        %dma_wait3A_187 = tpu.memref_squeeze %dma_wait3A_186 : memref<1x2x128xi32, #tpu.memory_space<hbm>> -> memref<2x128xi32, #tpu.memory_space<hbm>>
        tpu.wait_dma2 semaphore(%arg13 : memref<!tpu.dma_semaphore, #tpu.memory_space<semaphore_mem>>) src(%dma_wait3A_187 : memref<2x128xi32, #tpu.memory_space<hbm>>) dst(%arg6 : memref<2x128xi32, #tpu.memory_space<vmem>>)
        %dma_start3A_188 = arith.constant 0 : i32
        %dma_start3A_189 = arith.constant 0 : i32
        %dma_start3A_190 = tpu.memref_slice %arg6[%dma_start3A_188, %dma_start3A_189] : memref<2x128xi32, #tpu.memory_space<vmem>> -> memref<1x128xi32, #tpu.memory_space<vmem>>
        %dma_start3A_191 = tpu.memref_squeeze %dma_start3A_190 : memref<1x128xi32, #tpu.memory_space<vmem>> -> memref<128xi32, #tpu.memory_space<vmem>>
        %dma_start3A_192 = arith.constant 0 : i32
        %dma_start3A_193 = arith.constant 0 : i32
        %dma_start3A_194 = tpu.memref_slice %arg2[%dma_start3A_192, %dma_start3A_193] : memref<10000x128xf32, #tpu.memory_space<hbm>> -> memref<10000x128xf32, #tpu.memory_space<hbm>>
        tpu.enqueue_indirect_dma source(%dma_start3A_194 : memref<10000x128xf32, #tpu.memory_space<hbm>>) target(%arg9 : memref<128x128xf32, #tpu.memory_space<vmem>>) offsets(%dma_start3A_191 : memref<128xi32, #tpu.memory_space<vmem>>) semaphore(%arg16 : memref<!tpu.dma_semaphore, #tpu.memory_space<semaphore_mem>>)
      } else {
      }
      %ge3A_153 = arith.constant 1 : i32
      %ge3A_154 = arith.cmpi sge, %add3A_145, %ge3A_153 : i32
      %convert_element_type3A_155 = arith.extui %ge3A_154 : i1 to i32
      %cond3A_156 = arith.constant 0 : i32
      %cond3A_157 = arith.cmpi ne, %convert_element_type3A_155, %cond3A_156 : i32
      scf.if %cond3A_157 {
        %dma_wait3A_179 = arith.constant 1 : i32
        %dma_wait3A_180 = arith.constant 0 : i32
        %dma_wait3A_181 = tpu.memref_slice %arg7[%dma_wait3A_179, %dma_wait3A_180] : memref<2x128xi32, #tpu.memory_space<vmem>> -> memref<1x128xi32, #tpu.memory_space<vmem>>
        %dma_wait3A_182 = tpu.memref_squeeze %dma_wait3A_181 : memref<1x128xi32, #tpu.memory_space<vmem>> -> memref<128xi32, #tpu.memory_space<vmem>>
        %dma_wait3A_183 = arith.constant 0 : i32
        %dma_wait3A_184 = arith.constant 0 : i32
        %dma_wait3A_185 = tpu.memref_slice %arg12[%dma_wait3A_183, %dma_wait3A_184] : memref<10000x128xf32, #tpu.memory_space<vmem_shared>> -> memref<10000x128xf32, #tpu.memory_space<vmem_shared>>
        tpu.wait_indirect_dma semaphore(%arg20 : memref<!tpu.dma_semaphore, #tpu.memory_space<semaphore_mem>>) src(%arg10 : memref<128x128xf32, #tpu.memory_space<vmem>>) dst(%dma_wait3A_185 : memref<10000x128xf32, #tpu.memory_space<vmem_shared>>)
      } else {
      }
      %add3A_158 = arith.constant 2 : i32
      %add3A_159 = arith.addi %add3A_145, %add3A_158 : i32
      %lt3A_160 = arith.constant 78 : i32
      %lt3A_161 = arith.cmpi slt, %add3A_159, %lt3A_160 : i32
      %convert_element_type3A_162 = arith.extui %lt3A_161 : i1 to i32
      %cond3A_163 = arith.constant 0 : i32
      %cond3A_164 = arith.cmpi ne, %convert_element_type3A_162, %cond3A_163 : i32
      scf.if %cond3A_164 {
        %add3A_179 = arith.constant 2 : i32
        %add3A_180 = arith.addi %add3A_145, %add3A_179 : i32
        %add3A_181 = arith.addi %add3A_4, %add3A_180 : i32
        %mul3A_182 = arith.constant 128 : i32
        %mul3A_183 = arith.muli %add3A_181, %mul3A_182 : i32
        %dma_start3A_184 = arith.constant 0 : i32
        %dma_start3A_185 = arith.constant 0 : i32
        %dma_start3A_186 = tpu.memref_slice %arg3[%dma_start3A_184, %dma_start3A_185, %mul3A_183] : memref<2x2x320000xi32, #tpu.memory_space<hbm>> -> memref<1x2x128xi32, #tpu.memory_space<hbm>>
        %dma_start3A_187 = tpu.memref_squeeze %dma_start3A_186 : memref<1x2x128xi32, #tpu.memory_space<hbm>> -> memref<2x128xi32, #tpu.memory_space<hbm>>
        %dma_start3A_188 = arith.constant 0 : i32
        %dma_start3A_189 = tpu.memref_slice %arg3[%dma_start3A_184, %dma_start3A_188, %mul3A_183] : memref<2x2x320000xi32, #tpu.memory_space<hbm>> -> memref<1x2x128xi32, #tpu.memory_space<hbm>>
        %dma_start3A_190 = tpu.memref_squeeze %dma_start3A_189 : memref<1x2x128xi32, #tpu.memory_space<hbm>> -> memref<2x128xi32, #tpu.memory_space<hbm>>
        tpu.enqueue_dma source(%dma_start3A_190 : memref<2x128xi32, #tpu.memory_space<hbm>>) target(%arg7 : memref<2x128xi32, #tpu.memory_space<vmem>>) target_semaphore(%arg14 : memref<!tpu.dma_semaphore, #tpu.memory_space<semaphore_mem>>)
      } else {
      }
      %dma_wait3A_165 = arith.constant 0 : i32
      %dma_wait3A_166 = arith.constant 0 : i32
      %dma_wait3A_167 = tpu.memref_slice %arg8[%dma_wait3A_165, %dma_wait3A_166] : memref<2x128xi32, #tpu.memory_space<vmem>> -> memref<1x128xi32, #tpu.memory_space<vmem>>
      %dma_wait3A_168 = tpu.memref_squeeze %dma_wait3A_167 : memref<1x128xi32, #tpu.memory_space<vmem>> -> memref<128xi32, #tpu.memory_space<vmem>>
      %dma_wait3A_169 = arith.constant 0 : i32
      %dma_wait3A_170 = arith.constant 0 : i32
      %dma_wait3A_171 = tpu.memref_slice %arg2[%dma_wait3A_169, %dma_wait3A_170] : memref<10000x128xf32, #tpu.memory_space<hbm>> -> memref<10000x128xf32, #tpu.memory_space<hbm>>
      tpu.wait_indirect_dma semaphore(%arg18 : memref<!tpu.dma_semaphore, #tpu.memory_space<semaphore_mem>>) src(%dma_wait3A_171 : memref<10000x128xf32, #tpu.memory_space<hbm>>) dst(%arg11 : memref<128x128xf32, #tpu.memory_space<vmem>>)
      %dma_start3A_172 = arith.constant 1 : i32
      %dma_start3A_173 = arith.constant 0 : i32
      %dma_start3A_174 = tpu.memref_slice %arg8[%dma_start3A_172, %dma_start3A_173] : memref<2x128xi32, #tpu.memory_space<vmem>> -> memref<1x128xi32, #tpu.memory_space<vmem>>
      %dma_start3A_175 = tpu.memref_squeeze %dma_start3A_174 : memref<1x128xi32, #tpu.memory_space<vmem>> -> memref<128xi32, #tpu.memory_space<vmem>>
      %dma_start3A_176 = arith.constant 0 : i32
      %dma_start3A_177 = arith.constant 0 : i32
      %dma_start3A_178 = tpu.memref_slice %arg12[%dma_start3A_176, %dma_start3A_177] : memref<10000x128xf32, #tpu.memory_space<vmem_shared>> -> memref<10000x128xf32, #tpu.memory_space<vmem_shared>>
      tpu.enqueue_indirect_dma source(%arg11 : memref<128x128xf32, #tpu.memory_space<vmem>>) target(%dma_start3A_178 : memref<10000x128xf32, #tpu.memory_space<vmem_shared>>) offsets(%dma_start3A_175 : memref<128xi32, #tpu.memory_space<vmem>>) semaphore(%arg21 : memref<!tpu.dma_semaphore, #tpu.memory_space<semaphore_mem>>) {add = true}
    }
    %scan3A_48 = arith.constant 26 : i32
    %dma_wait3A_49 = arith.constant 1 : i32
    %dma_wait3A_50 = arith.constant 0 : i32
    %dma_wait3A_51 = tpu.memref_slice %arg8[%dma_wait3A_49, %dma_wait3A_50] : memref<2x128xi32, #tpu.memory_space<vmem>> -> memref<1x128xi32, #tpu.memory_space<vmem>>
    %dma_wait3A_52 = tpu.memref_squeeze %dma_wait3A_51 : memref<1x128xi32, #tpu.memory_space<vmem>> -> memref<128xi32, #tpu.memory_space<vmem>>
    %dma_wait3A_53 = arith.constant 0 : i32
    %dma_wait3A_54 = arith.constant 0 : i32
    %dma_wait3A_55 = tpu.memref_slice %arg12[%dma_wait3A_53, %dma_wait3A_54] : memref<10000x128xf32, #tpu.memory_space<vmem_shared>> -> memref<10000x128xf32, #tpu.memory_space<vmem_shared>>
    tpu.wait_indirect_dma semaphore(%arg21 : memref<!tpu.dma_semaphore, #tpu.memory_space<semaphore_mem>>) src(%arg11 : memref<128x128xf32, #tpu.memory_space<vmem>>) dst(%dma_wait3A_55 : memref<10000x128xf32, #tpu.memory_space<vmem_shared>>)
    %lt3A = arith.constant 4 : i32
    %lt3A_56 = arith.cmpi slt, %add3A, %lt3A : i32
    %convert_element_type3A_57 = arith.extui %lt3A_56 : i1 to i32
    %cond3A_58 = arith.constant 0 : i32
    %cond3A_59 = arith.cmpi ne, %convert_element_type3A_57, %cond3A_58 : i32
    scf.if %cond3A_59 {
      %add3A_70 = arith.constant 78 : i32
      %add3A_71 = arith.addi %add3A_4, %add3A_70 : i32
      %mul3A_72 = arith.constant 128 : i32
      %mul3A_73 = arith.muli %add3A_71, %mul3A_72 : i32
      %run_scoped3A = arith.constant 0 : i32
      "tpu.region"() ({
        %run_scoped3A_89 = tpu.sem_alloc : memref<!tpu.dma_semaphore, #tpu.memory_space<semaphore_mem>>
        %dma_start3A_90 = arith.constant 0 : i32
        %dma_start3A_91 = tpu.memref_slice %arg3[%run_scoped3A, %dma_start3A_90, %mul3A_73] : memref<2x2x320000xi32, #tpu.memory_space<hbm>> -> memref<1x2x128xi32, #tpu.memory_space<hbm>>
        %dma_start3A_92 = tpu.memref_squeeze %dma_start3A_91 : memref<1x2x128xi32, #tpu.memory_space<hbm>> -> memref<2x128xi32, #tpu.memory_space<hbm>>
        %dma_start3A_93 = arith.constant 0 : i32
        %dma_start3A_94 = tpu.memref_slice %arg3[%run_scoped3A, %dma_start3A_93, %mul3A_73] : memref<2x2x320000xi32, #tpu.memory_space<hbm>> -> memref<1x2x128xi32, #tpu.memory_space<hbm>>
        %dma_start3A_95 = tpu.memref_squeeze %dma_start3A_94 : memref<1x2x128xi32, #tpu.memory_space<hbm>> -> memref<2x128xi32, #tpu.memory_space<hbm>>
        tpu.enqueue_dma source(%dma_start3A_95 : memref<2x128xi32, #tpu.memory_space<hbm>>) target(%arg6 : memref<2x128xi32, #tpu.memory_space<vmem>>) target_semaphore(%run_scoped3A_89 : memref<!tpu.dma_semaphore, #tpu.memory_space<semaphore_mem>>)
        %dma_wait3A_96 = arith.constant 0 : i32
        %dma_wait3A_97 = tpu.memref_slice %arg3[%run_scoped3A, %dma_wait3A_96, %mul3A_73] : memref<2x2x320000xi32, #tpu.memory_space<hbm>> -> memref<1x2x128xi32, #tpu.memory_space<hbm>>
        %dma_wait3A_98 = tpu.memref_squeeze %dma_wait3A_97 : memref<1x2x128xi32, #tpu.memory_space<hbm>> -> memref<2x128xi32, #tpu.memory_space<hbm>>
        %dma_wait3A_99 = arith.constant 0 : i32
        %dma_wait3A_100 = tpu.memref_slice %arg3[%run_scoped3A, %dma_wait3A_99, %mul3A_73] : memref<2x2x320000xi32, #tpu.memory_space<hbm>> -> memref<1x2x128xi32, #tpu.memory_space<hbm>>
        %dma_wait3A_101 = tpu.memref_squeeze %dma_wait3A_100 : memref<1x2x128xi32, #tpu.memory_space<hbm>> -> memref<2x128xi32, #tpu.memory_space<hbm>>
        tpu.wait_dma2 semaphore(%run_scoped3A_89 : memref<!tpu.dma_semaphore, #tpu.memory_space<semaphore_mem>>) src(%dma_wait3A_101 : memref<2x128xi32, #tpu.memory_space<hbm>>) dst(%arg6 : memref<2x128xi32, #tpu.memory_space<vmem>>)
        tpu.yield
      }) : () -> ()
      %dma_start3A_74 = arith.constant 0 : i32
      %dma_start3A_75 = arith.constant 0 : i32
      %dma_start3A_76 = tpu.memref_slice %arg6[%dma_start3A_74, %dma_start3A_75] : memref<2x128xi32, #tpu.memory_space<vmem>> -> memref<1x128xi32, #tpu.memory_space<vmem>>
      %dma_start3A_77 = tpu.memref_squeeze %dma_start3A_76 : memref<1x128xi32, #tpu.memory_space<vmem>> -> memref<128xi32, #tpu.memory_space<vmem>>
      %dma_start3A_78 = arith.constant 0 : i32
      %dma_start3A_79 = arith.constant 0 : i32
      %dma_start3A_80 = tpu.memref_slice %arg2[%dma_start3A_78, %dma_start3A_79] : memref<10000x128xf32, #tpu.memory_space<hbm>> -> memref<10000x128xf32, #tpu.memory_space<hbm>>
      tpu.enqueue_indirect_dma source(%dma_start3A_80 : memref<10000x128xf32, #tpu.memory_space<hbm>>) target(%arg9 : memref<128x128xf32, #tpu.memory_space<vmem>>) offsets(%dma_start3A_77 : memref<128xi32, #tpu.memory_space<vmem>>) semaphore(%arg16 : memref<!tpu.dma_semaphore, #tpu.memory_space<semaphore_mem>>)
      %dma_wait3A_81 = arith.constant 0 : i32
      %dma_wait3A_82 = arith.constant 0 : i32
      %dma_wait3A_83 = tpu.memref_slice %arg6[%dma_wait3A_81, %dma_wait3A_82] : memref<2x128xi32, #tpu.memory_space<vmem>> -> memref<1x128xi32, #tpu.memory_space<vmem>>
      %dma_wait3A_84 = tpu.memref_squeeze %dma_wait3A_83 : memref<1x128xi32, #tpu.memory_space<vmem>> -> memref<128xi32, #tpu.memory_space<vmem>>
      %dma_wait3A_85 = arith.constant 0 : i32
      %dma_wait3A_86 = arith.constant 0 : i32
      %dma_wait3A_87 = tpu.memref_slice %arg2[%dma_wait3A_85, %dma_wait3A_86] : memref<10000x128xf32, #tpu.memory_space<hbm>> -> memref<10000x128xf32, #tpu.memory_space<hbm>>
      tpu.wait_indirect_dma semaphore(%arg16 : memref<!tpu.dma_semaphore, #tpu.memory_space<semaphore_mem>>) src(%dma_wait3A_87 : memref<10000x128xf32, #tpu.memory_space<hbm>>) dst(%arg9 : memref<128x128xf32, #tpu.memory_space<vmem>>)
      %run_scoped3A_88 = arith.constant 1 : i32
      "tpu.region"() ({
        %run_scoped3A_89 = tpu.sem_alloc : memref<!tpu.dma_semaphore, #tpu.memory_space<semaphore_mem>>
        %dma_start3A_90 = arith.constant 0 : i32
        %dma_start3A_91 = tpu.memref_slice %arg6[%run_scoped3A_88, %dma_start3A_90] : memref<2x128xi32, #tpu.memory_space<vmem>> -> memref<1x128xi32, #tpu.memory_space<vmem>>
        %dma_start3A_92 = tpu.memref_squeeze %dma_start3A_91 : memref<1x128xi32, #tpu.memory_space<vmem>> -> memref<128xi32, #tpu.memory_space<vmem>>
        %dma_start3A_93 = arith.constant 0 : i32
        %dma_start3A_94 = arith.constant 0 : i32
        %dma_start3A_95 = tpu.memref_slice %arg12[%dma_start3A_93, %dma_start3A_94] : memref<10000x128xf32, #tpu.memory_space<vmem_shared>> -> memref<10000x128xf32, #tpu.memory_space<vmem_shared>>
        tpu.enqueue_indirect_dma source(%arg9 : memref<128x128xf32, #tpu.memory_space<vmem>>) target(%dma_start3A_95 : memref<10000x128xf32, #tpu.memory_space<vmem_shared>>) offsets(%dma_start3A_92 : memref<128xi32, #tpu.memory_space<vmem>>) semaphore(%run_scoped3A_89 : memref<!tpu.dma_semaphore, #tpu.memory_space<semaphore_mem>>) {add = true}
        %dma_wait3A_96 = arith.constant 0 : i32
        %dma_wait3A_97 = tpu.memref_slice %arg6[%run_scoped3A_88, %dma_wait3A_96] : memref<2x128xi32, #tpu.memory_space<vmem>> -> memref<1x128xi32, #tpu.memory_space<vmem>>
        %dma_wait3A_98 = tpu.memref_squeeze %dma_wait3A_97 : memref<1x128xi32, #tpu.memory_space<vmem>> -> memref<128xi32, #tpu.memory_space<vmem>>
        %dma_wait3A_99 = arith.constant 0 : i32
        %dma_wait3A_100 = arith.constant 0 : i32
        %dma_wait3A_101 = tpu.memref_slice %arg12[%dma_wait3A_99, %dma_wait3A_100] : memref<10000x128xf32, #tpu.memory_space<vmem_shared>> -> memref<10000x128xf32, #tpu.memory_space<vmem_shared>>
        tpu.wait_indirect_dma semaphore(%run_scoped3A_89 : memref<!tpu.dma_semaphore, #tpu.memory_space<semaphore_mem>>) src(%arg9 : memref<128x128xf32, #tpu.memory_space<vmem>>) dst(%dma_wait3A_101 : memref<10000x128xf32, #tpu.memory_space<vmem_shared>>)
        tpu.yield
      }) : () -> ()
    } else {
    }
    %barrier3A_60 = arith.constant 0 : index
    tpu.barrier barrier_id(%barrier3A_60)
    %mul3A_61 = arith.constant 624 : i32
    %mul3A_62 = arith.muli %arg1, %mul3A_61 : i32
    %mul3A_63 = arith.constant 624 : i32
    %mul3A_64 = arith.muli %arg1, %mul3A_63 : i32
    "tpu.region"() ({
      %run_scoped3A = tpu.sem_alloc : memref<!tpu.dma_semaphore, #tpu.memory_space<semaphore_mem>>
      %dma_start3A_70 = arith.constant 0 : i32
      %dma_start3A_71 = tpu.memref_slice %arg5[%arg0, %mul3A_64, %dma_start3A_70] : memref<2x10000x128xf32, #tpu.memory_space<hbm>> -> memref<1x624x128xf32, #tpu.memory_space<hbm>>
      %dma_start3A_72 = tpu.memref_squeeze %dma_start3A_71 : memref<1x624x128xf32, #tpu.memory_space<hbm>> -> memref<624x128xf32, #tpu.memory_space<hbm>>
      %dma_start3A_73 = arith.constant 0 : i32
      %dma_start3A_74 = tpu.memref_slice %arg12[%mul3A_62, %dma_start3A_73] : memref<10000x128xf32, #tpu.memory_space<vmem_shared>> -> memref<624x128xf32, #tpu.memory_space<vmem_shared>>
      tpu.enqueue_dma source(%dma_start3A_74 : memref<624x128xf32, #tpu.memory_space<vmem_shared>>) target(%dma_start3A_72 : memref<624x128xf32, #tpu.memory_space<hbm>>) target_semaphore(%run_scoped3A : memref<!tpu.dma_semaphore, #tpu.memory_space<semaphore_mem>>)
      %dma_wait3A_75 = arith.constant 0 : i32
      %dma_wait3A_76 = tpu.memref_slice %arg5[%arg0, %mul3A_64, %dma_wait3A_75] : memref<2x10000x128xf32, #tpu.memory_space<hbm>> -> memref<1x624x128xf32, #tpu.memory_space<hbm>>
      %dma_wait3A_77 = tpu.memref_squeeze %dma_wait3A_76 : memref<1x624x128xf32, #tpu.memory_space<hbm>> -> memref<624x128xf32, #tpu.memory_space<hbm>>
      %dma_wait3A_78 = arith.constant 0 : i32
      %dma_wait3A_79 = tpu.memref_slice %arg12[%mul3A_62, %dma_wait3A_78] : memref<10000x128xf32, #tpu.memory_space<vmem_shared>> -> memref<624x128xf32, #tpu.memory_space<vmem_shared>>
      tpu.wait_dma2 semaphore(%run_scoped3A : memref<!tpu.dma_semaphore, #tpu.memory_space<semaphore_mem>>) src(%dma_wait3A_79 : memref<624x128xf32, #tpu.memory_space<vmem_shared>>) dst(%dma_wait3A_77 : memref<624x128xf32, #tpu.memory_space<hbm>>)
      tpu.yield
    }) : () -> ()
    %eq3A_65 = arith.constant 0 : i32
    %eq3A_66 = arith.cmpi eq, %arg1, %eq3A_65 : i32
    %convert_element_type3A_67 = arith.extui %eq3A_66 : i1 to i32
    %cond3A_68 = arith.constant 0 : i32
    %cond3A_69 = arith.cmpi ne, %convert_element_type3A_67, %cond3A_68 : i32
    scf.if %cond3A_69 {
      "tpu.region"() ({
        %run_scoped3A = tpu.sem_alloc : memref<!tpu.dma_semaphore, #tpu.memory_space<semaphore_mem>>
        %dma_start3A_70 = arith.constant 9984 : i32
        %dma_start3A_71 = arith.constant 0 : i32
        %dma_start3A_72 = tpu.memref_slice %arg5[%arg0, %dma_start3A_70, %dma_start3A_71] : memref<2x10000x128xf32, #tpu.memory_space<hbm>> -> memref<1x16x128xf32, #tpu.memory_space<hbm>>
        %dma_start3A_73 = tpu.memref_squeeze %dma_start3A_72 : memref<1x16x128xf32, #tpu.memory_space<hbm>> -> memref<16x128xf32, #tpu.memory_space<hbm>>
        %dma_start3A_74 = arith.constant 9984 : i32
        %dma_start3A_75 = arith.constant 0 : i32
        %dma_start3A_76 = tpu.memref_slice %arg12[%dma_start3A_74, %dma_start3A_75] : memref<10000x128xf32, #tpu.memory_space<vmem_shared>> -> memref<16x128xf32, #tpu.memory_space<vmem_shared>>
        tpu.enqueue_dma source(%dma_start3A_76 : memref<16x128xf32, #tpu.memory_space<vmem_shared>>) target(%dma_start3A_73 : memref<16x128xf32, #tpu.memory_space<hbm>>) target_semaphore(%run_scoped3A : memref<!tpu.dma_semaphore, #tpu.memory_space<semaphore_mem>>)
        %dma_wait3A_77 = arith.constant 9984 : i32
        %dma_wait3A_78 = arith.constant 0 : i32
        %dma_wait3A_79 = tpu.memref_slice %arg5[%arg0, %dma_wait3A_77, %dma_wait3A_78] : memref<2x10000x128xf32, #tpu.memory_space<hbm>> -> memref<1x16x128xf32, #tpu.memory_space<hbm>>
        %dma_wait3A_80 = tpu.memref_squeeze %dma_wait3A_79 : memref<1x16x128xf32, #tpu.memory_space<hbm>> -> memref<16x128xf32, #tpu.memory_space<hbm>>
        %dma_wait3A_81 = arith.constant 9984 : i32
        %dma_wait3A_82 = arith.constant 0 : i32
        %dma_wait3A_83 = tpu.memref_slice %arg12[%dma_wait3A_81, %dma_wait3A_82] : memref<10000x128xf32, #tpu.memory_space<vmem_shared>> -> memref<16x128xf32, #tpu.memory_space<vmem_shared>>
        tpu.wait_dma2 semaphore(%run_scoped3A : memref<!tpu.dma_semaphore, #tpu.memory_space<semaphore_mem>>) src(%dma_wait3A_83 : memref<16x128xf32, #tpu.memory_space<vmem_shared>>) dst(%dma_wait3A_80 : memref<16x128xf32, #tpu.memory_space<hbm>>)
        tpu.yield
      }) : () -> ()
    } else {
    }
    return
  }
}

#map = affine_map<(d0, d1) -> (0, 0)>
#map1 = affine_map<(d0, d1) -> (0, 0, 0)>
module attributes {stable_mosaic.version = 14 : i64} {
  func.func @_sc_agg_body(%arg0: i32, %arg1: i32, %arg2: memref<10000x128xf32, #tpu.memory_space<hbm>>, %arg3: memref<2x2x320000xi32, #tpu.memory_space<hbm>>, %arg4: memref<624x128xf32, #tpu.memory_space<hbm>>, %arg5: memref<2x10000x128xf32, #tpu.memory_space<hbm>>, %arg6: memref<2x128xi32, #tpu.memory_space<vmem>>, %arg7: memref<2x128xi32, #tpu.memory_space<vmem>>, %arg8: memref<2x128xi32, #tpu.memory_space<vmem>>, %arg9: memref<128x128xf32, #tpu.memory_space<vmem>>, %arg10: memref<128x128xf32, #tpu.memory_space<vmem>>, %arg11: memref<128x128xf32, #tpu.memory_space<vmem>>, %arg12: memref<10000x128xf32, #tpu.memory_space<vmem_shared>>, %arg13: memref<!tpu.dma_semaphore, #tpu.memory_space<semaphore_mem>>, %arg14: memref<!tpu.dma_semaphore, #tpu.memory_space<semaphore_mem>>, %arg15: memref<!tpu.dma_semaphore, #tpu.memory_space<semaphore_mem>>, %arg16: memref<!tpu.dma_semaphore, #tpu.memory_space<semaphore_mem>>, %arg17: memref<!tpu.dma_semaphore, #tpu.memory_space<semaphore_mem>>, %arg18: memref<!tpu.dma_semaphore, #tpu.memory_space<semaphore_mem>>, %arg19: memref<!tpu.dma_semaphore, #tpu.memory_space<semaphore_mem>>, %arg20: memref<!tpu.dma_semaphore, #tpu.memory_space<semaphore_mem>>, %arg21: memref<!tpu.dma_semaphore, #tpu.memory_space<semaphore_mem>>) attributes {dimension_semantics = [#tpu.dimension_semantics<core_parallel>, #tpu.dimension_semantics<subcore_parallel>], iteration_bounds = array<i64: 2, 16>, scalar_prefetch = 0 : i64, scratch_operands = 16 : i64, tpu.core_type = #tpu.core_type<sc_vector_subcore>, window_params = [{transform_indices = #map}, {transform_indices = #map1}, {transform_indices = #map}, {transform_indices = #map1}]} {
    %mul3A = arith.constant 2 : i32
    %mul3A_0 = arith.muli %arg1, %mul3A : i32
    %add3A = arith.addi %mul3A_0, %arg0 : i32
    %mul3A_1 = arith.constant 78 : i32
    %mul3A_2 = arith.muli %add3A, %mul3A_1 : i32
    %min3A = arith.constant 4 : i32
    %min3A_3 = arith.minsi %add3A, %min3A : i32
    %add3A_4 = arith.addi %mul3A_2, %min3A_3 : i32
    %add3A_5 = arith.constant 0 : i32
    %add3A_6 = arith.addi %add3A_4, %add3A_5 : i32
    %mul3A_7 = arith.constant 128 : i32
    %mul3A_8 = arith.muli %add3A_6, %mul3A_7 : i32
    %dma_start3A = arith.constant 1 : i32
    %dma_start3A_9 = arith.constant 0 : i32
    %dma_start3A_10 = tpu.memref_slice %arg3[%dma_start3A, %dma_start3A_9, %mul3A_8] : memref<2x2x320000xi32, #tpu.memory_space<hbm>> -> memref<1x2x128xi32, #tpu.memory_space<hbm>>
    %dma_start3A_11 = tpu.memref_squeeze %dma_start3A_10 : memref<1x2x128xi32, #tpu.memory_space<hbm>> -> memref<2x128xi32, #tpu.memory_space<hbm>>
    %dma_start3A_12 = arith.constant 0 : i32
    %dma_start3A_13 = tpu.memref_slice %arg3[%dma_start3A, %dma_start3A_12, %mul3A_8] : memref<2x2x320000xi32, #tpu.memory_space<hbm>> -> memref<1x2x128xi32, #tpu.memory_space<hbm>>
    %dma_start3A_14 = tpu.memref_squeeze %dma_start3A_13 : memref<1x2x128xi32, #tpu.memory_space<hbm>> -> memref<2x128xi32, #tpu.memory_space<hbm>>
    tpu.enqueue_dma source(%dma_start3A_14 : memref<2x128xi32, #tpu.memory_space<hbm>>) target(%arg6 : memref<2x128xi32, #tpu.memory_space<vmem>>) target_semaphore(%arg13 : memref<!tpu.dma_semaphore, #tpu.memory_space<semaphore_mem>>)
    %add3A_15 = arith.constant 1 : i32
    %add3A_16 = arith.addi %add3A_4, %add3A_15 : i32
    %mul3A_17 = arith.constant 128 : i32
    %mul3A_18 = arith.muli %add3A_16, %mul3A_17 : i32
    %dma_start3A_19 = arith.constant 1 : i32
    %dma_start3A_20 = arith.constant 0 : i32
    %dma_start3A_21 = tpu.memref_slice %arg3[%dma_start3A_19, %dma_start3A_20, %mul3A_18] : memref<2x2x320000xi32, #tpu.memory_space<hbm>> -> memref<1x2x128xi32, #tpu.memory_space<hbm>>
    %dma_start3A_22 = tpu.memref_squeeze %dma_start3A_21 : memref<1x2x128xi32, #tpu.memory_space<hbm>> -> memref<2x128xi32, #tpu.memory_space<hbm>>
    %dma_start3A_23 = arith.constant 0 : i32
    %dma_start3A_24 = tpu.memref_slice %arg3[%dma_start3A_19, %dma_start3A_23, %mul3A_18] : memref<2x2x320000xi32, #tpu.memory_space<hbm>> -> memref<1x2x128xi32, #tpu.memory_space<hbm>>
    %dma_start3A_25 = tpu.memref_squeeze %dma_start3A_24 : memref<1x2x128xi32, #tpu.memory_space<hbm>> -> memref<2x128xi32, #tpu.memory_space<hbm>>
    tpu.enqueue_dma source(%dma_start3A_25 : memref<2x128xi32, #tpu.memory_space<hbm>>) target(%arg7 : memref<2x128xi32, #tpu.memory_space<vmem>>) target_semaphore(%arg14 : memref<!tpu.dma_semaphore, #tpu.memory_space<semaphore_mem>>)
    %dma_wait3A = arith.constant 1 : i32
    %dma_wait3A_26 = arith.constant 0 : i32
    %dma_wait3A_27 = arith.constant 0 : i32
    %dma_wait3A_28 = tpu.memref_slice %arg3[%dma_wait3A, %dma_wait3A_26, %dma_wait3A_27] : memref<2x2x320000xi32, #tpu.memory_space<hbm>> -> memref<1x2x128xi32, #tpu.memory_space<hbm>>
    %dma_wait3A_29 = tpu.memref_squeeze %dma_wait3A_28 : memref<1x2x128xi32, #tpu.memory_space<hbm>> -> memref<2x128xi32, #tpu.memory_space<hbm>>
    %dma_wait3A_30 = arith.constant 0 : i32
    %dma_wait3A_31 = arith.constant 0 : i32
    %dma_wait3A_32 = tpu.memref_slice %arg3[%dma_wait3A, %dma_wait3A_30, %dma_wait3A_31] : memref<2x2x320000xi32, #tpu.memory_space<hbm>> -> memref<1x2x128xi32, #tpu.memory_space<hbm>>
    %dma_wait3A_33 = tpu.memref_squeeze %dma_wait3A_32 : memref<1x2x128xi32, #tpu.memory_space<hbm>> -> memref<2x128xi32, #tpu.memory_space<hbm>>
    tpu.wait_dma2 semaphore(%arg13 : memref<!tpu.dma_semaphore, #tpu.memory_space<semaphore_mem>>) src(%dma_wait3A_33 : memref<2x128xi32, #tpu.memory_space<hbm>>) dst(%arg6 : memref<2x128xi32, #tpu.memory_space<vmem>>)
    %dma_start3A_34 = arith.constant 0 : i32
    %dma_start3A_35 = arith.constant 0 : i32
    %dma_start3A_36 = tpu.memref_slice %arg6[%dma_start3A_34, %dma_start3A_35] : memref<2x128xi32, #tpu.memory_space<vmem>> -> memref<1x128xi32, #tpu.memory_space<vmem>>
    %dma_start3A_37 = tpu.memref_squeeze %dma_start3A_36 : memref<1x128xi32, #tpu.memory_space<vmem>> -> memref<128xi32, #tpu.memory_space<vmem>>
    %dma_start3A_38 = arith.constant 0 : i32
    %dma_start3A_39 = arith.constant 0 : i32
    %dma_start3A_40 = tpu.memref_slice %arg2[%dma_start3A_38, %dma_start3A_39] : memref<10000x128xf32, #tpu.memory_space<hbm>> -> memref<10000x128xf32, #tpu.memory_space<hbm>>
    tpu.enqueue_indirect_dma source(%dma_start3A_40 : memref<10000x128xf32, #tpu.memory_space<hbm>>) target(%arg9 : memref<128x128xf32, #tpu.memory_space<vmem>>) offsets(%dma_start3A_37 : memref<128xi32, #tpu.memory_space<vmem>>) semaphore(%arg16 : memref<!tpu.dma_semaphore, #tpu.memory_space<semaphore_mem>>)
    %mul3A_41 = arith.constant 624 : i32
    %mul3A_42 = arith.muli %arg1, %mul3A_41 : i32
    "tpu.region"() ({
      %run_scoped3A = tpu.sem_alloc : memref<!tpu.dma_semaphore, #tpu.memory_space<semaphore_mem>>
      %dma_start3A_70 = arith.constant 0 : i32
      %dma_start3A_71 = tpu.memref_slice %arg12[%mul3A_42, %dma_start3A_70] : memref<10000x128xf32, #tpu.memory_space<vmem_shared>> -> memref<624x128xf32, #tpu.memory_space<vmem_shared>>
      tpu.enqueue_dma source(%arg4 : memref<624x128xf32, #tpu.memory_space<hbm>>) target(%dma_start3A_71 : memref<624x128xf32, #tpu.memory_space<vmem_shared>>) target_semaphore(%run_scoped3A : memref<!tpu.dma_semaphore, #tpu.memory_space<semaphore_mem>>)
      %dma_wait3A_72 = arith.constant 0 : i32
      %dma_wait3A_73 = tpu.memref_slice %arg12[%mul3A_42, %dma_wait3A_72] : memref<10000x128xf32, #tpu.memory_space<vmem_shared>> -> memref<624x128xf32, #tpu.memory_space<vmem_shared>>
      tpu.wait_dma2 semaphore(%run_scoped3A : memref<!tpu.dma_semaphore, #tpu.memory_space<semaphore_mem>>) src(%arg4 : memref<624x128xf32, #tpu.memory_space<hbm>>) dst(%dma_wait3A_73 : memref<624x128xf32, #tpu.memory_space<vmem_shared>>)
      tpu.yield
    }) : () -> ()
    %eq3A = arith.constant 0 : i32
    %eq3A_43 = arith.cmpi eq, %arg1, %eq3A : i32
    %convert_element_type3A = arith.extui %eq3A_43 : i1 to i32
    %cond3A = arith.constant 0 : i32
    %cond3A_44 = arith.cmpi ne, %convert_element_type3A, %cond3A : i32
    scf.if %cond3A_44 {
      "tpu.region"() ({
        %run_scoped3A = tpu.sem_alloc : memref<!tpu.dma_semaphore, #tpu.memory_space<semaphore_mem>>
        %dma_start3A_70 = arith.constant 9984 : i32
        %dma_start3A_71 = arith.constant 0 : i32
        %dma_start3A_72 = tpu.memref_slice %arg12[%dma_start3A_70, %dma_start3A_71] : memref<10000x128xf32, #tpu.memory_space<vmem_shared>> -> memref<16x128xf32, #tpu.memory_space<vmem_shared>>
        %dma_start3A_73 = arith.constant 0 : i32
        %dma_start3A_74 = arith.constant 0 : i32
        %dma_start3A_75 = tpu.memref_slice %arg4[%dma_start3A_73, %dma_start3A_74] : memref<624x128xf32, #tpu.memory_space<hbm>> -> memref<16x128xf32, #tpu.memory_space<hbm>>
        tpu.enqueue_dma source(%dma_start3A_75 : memref<16x128xf32, #tpu.memory_space<hbm>>) target(%dma_start3A_72 : memref<16x128xf32, #tpu.memory_space<vmem_shared>>) target_semaphore(%run_scoped3A : memref<!tpu.dma_semaphore, #tpu.memory_space<semaphore_mem>>)
        %dma_wait3A_76 = arith.constant 9984 : i32
        %dma_wait3A_77 = arith.constant 0 : i32
        %dma_wait3A_78 = tpu.memref_slice %arg12[%dma_wait3A_76, %dma_wait3A_77] : memref<10000x128xf32, #tpu.memory_space<vmem_shared>> -> memref<16x128xf32, #tpu.memory_space<vmem_shared>>
        %dma_wait3A_79 = arith.constant 0 : i32
        %dma_wait3A_80 = arith.constant 0 : i32
        %dma_wait3A_81 = tpu.memref_slice %arg4[%dma_wait3A_79, %dma_wait3A_80] : memref<624x128xf32, #tpu.memory_space<hbm>> -> memref<16x128xf32, #tpu.memory_space<hbm>>
        tpu.wait_dma2 semaphore(%run_scoped3A : memref<!tpu.dma_semaphore, #tpu.memory_space<semaphore_mem>>) src(%dma_wait3A_81 : memref<16x128xf32, #tpu.memory_space<hbm>>) dst(%dma_wait3A_78 : memref<16x128xf32, #tpu.memory_space<vmem_shared>>)
        tpu.yield
      }) : () -> ()
    } else {
    }
    %barrier3A = arith.constant 0 : index
    tpu.barrier barrier_id(%barrier3A)
    %scan3A = arith.constant 0 : i32
    %scan3A_45 = arith.constant 26 : i32
    %scan3A_46 = arith.addi %scan3A, %scan3A_45 : i32
    %scan3A_47 = arith.constant 1 : i32
    scf.for %scan3A_70 = %scan3A to %scan3A_46 step %scan3A_47  : i32 {
      %mul3A_71 = arith.constant 3 : i32
      %mul3A_72 = arith.muli %scan3A_70, %mul3A_71 : i32
      %add3A_73 = arith.constant 0 : i32
      %add3A_74 = arith.addi %add3A_73, %mul3A_72 : i32
      %add3A_75 = arith.constant 0 : i32
      %add3A_76 = arith.addi %add3A_74, %add3A_75 : i32
      %add3A_77 = arith.constant 1 : i32
      %add3A_78 = arith.addi %add3A_76, %add3A_77 : i32
      %lt3A_79 = arith.constant 78 : i32
      %lt3A_80 = arith.cmpi slt, %add3A_78, %lt3A_79 : i32
      %convert_element_type3A_81 = arith.extui %lt3A_80 : i1 to i32
      %cond3A_82 = arith.constant 0 : i32
      %cond3A_83 = arith.cmpi ne, %convert_element_type3A_81, %cond3A_82 : i32
      scf.if %cond3A_83 {
        %dma_wait3A_179 = arith.constant 1 : i32
        %dma_wait3A_180 = arith.constant 0 : i32
        %dma_wait3A_181 = arith.constant 0 : i32
        %dma_wait3A_182 = tpu.memref_slice %arg3[%dma_wait3A_179, %dma_wait3A_180, %dma_wait3A_181] : memref<2x2x320000xi32, #tpu.memory_space<hbm>> -> memref<1x2x128xi32, #tpu.memory_space<hbm>>
        %dma_wait3A_183 = tpu.memref_squeeze %dma_wait3A_182 : memref<1x2x128xi32, #tpu.memory_space<hbm>> -> memref<2x128xi32, #tpu.memory_space<hbm>>
        %dma_wait3A_184 = arith.constant 0 : i32
        %dma_wait3A_185 = arith.constant 0 : i32
        %dma_wait3A_186 = tpu.memref_slice %arg3[%dma_wait3A_179, %dma_wait3A_184, %dma_wait3A_185] : memref<2x2x320000xi32, #tpu.memory_space<hbm>> -> memref<1x2x128xi32, #tpu.memory_space<hbm>>
        %dma_wait3A_187 = tpu.memref_squeeze %dma_wait3A_186 : memref<1x2x128xi32, #tpu.memory_space<hbm>> -> memref<2x128xi32, #tpu.memory_space<hbm>>
        tpu.wait_dma2 semaphore(%arg14 : memref<!tpu.dma_semaphore, #tpu.memory_space<semaphore_mem>>) src(%dma_wait3A_187 : memref<2x128xi32, #tpu.memory_space<hbm>>) dst(%arg7 : memref<2x128xi32, #tpu.memory_space<vmem>>)
        %dma_start3A_188 = arith.constant 0 : i32
        %dma_start3A_189 = arith.constant 0 : i32
        %dma_start3A_190 = tpu.memref_slice %arg7[%dma_start3A_188, %dma_start3A_189] : memref<2x128xi32, #tpu.memory_space<vmem>> -> memref<1x128xi32, #tpu.memory_space<vmem>>
        %dma_start3A_191 = tpu.memref_squeeze %dma_start3A_190 : memref<1x128xi32, #tpu.memory_space<vmem>> -> memref<128xi32, #tpu.memory_space<vmem>>
        %dma_start3A_192 = arith.constant 0 : i32
        %dma_start3A_193 = arith.constant 0 : i32
        %dma_start3A_194 = tpu.memref_slice %arg2[%dma_start3A_192, %dma_start3A_193] : memref<10000x128xf32, #tpu.memory_space<hbm>> -> memref<10000x128xf32, #tpu.memory_space<hbm>>
        tpu.enqueue_indirect_dma source(%dma_start3A_194 : memref<10000x128xf32, #tpu.memory_space<hbm>>) target(%arg10 : memref<128x128xf32, #tpu.memory_space<vmem>>) offsets(%dma_start3A_191 : memref<128xi32, #tpu.memory_space<vmem>>) semaphore(%arg17 : memref<!tpu.dma_semaphore, #tpu.memory_space<semaphore_mem>>)
      } else {
      }
      %ge3A = arith.constant 1 : i32
      %ge3A_84 = arith.cmpi sge, %add3A_76, %ge3A : i32
      %convert_element_type3A_85 = arith.extui %ge3A_84 : i1 to i32
      %cond3A_86 = arith.constant 0 : i32
      %cond3A_87 = arith.cmpi ne, %convert_element_type3A_85, %cond3A_86 : i32
      scf.if %cond3A_87 {
        %dma_wait3A_179 = arith.constant 1 : i32
        %dma_wait3A_180 = arith.constant 0 : i32
        %dma_wait3A_181 = tpu.memref_slice %arg8[%dma_wait3A_179, %dma_wait3A_180] : memref<2x128xi32, #tpu.memory_space<vmem>> -> memref<1x128xi32, #tpu.memory_space<vmem>>
        %dma_wait3A_182 = tpu.memref_squeeze %dma_wait3A_181 : memref<1x128xi32, #tpu.memory_space<vmem>> -> memref<128xi32, #tpu.memory_space<vmem>>
        %dma_wait3A_183 = arith.constant 0 : i32
        %dma_wait3A_184 = arith.constant 0 : i32
        %dma_wait3A_185 = tpu.memref_slice %arg12[%dma_wait3A_183, %dma_wait3A_184] : memref<10000x128xf32, #tpu.memory_space<vmem_shared>> -> memref<10000x128xf32, #tpu.memory_space<vmem_shared>>
        tpu.wait_indirect_dma semaphore(%arg21 : memref<!tpu.dma_semaphore, #tpu.memory_space<semaphore_mem>>) src(%arg11 : memref<128x128xf32, #tpu.memory_space<vmem>>) dst(%dma_wait3A_185 : memref<10000x128xf32, #tpu.memory_space<vmem_shared>>)
      } else {
      }
      %add3A_88 = arith.constant 2 : i32
      %add3A_89 = arith.addi %add3A_76, %add3A_88 : i32
      %lt3A_90 = arith.constant 78 : i32
      %lt3A_91 = arith.cmpi slt, %add3A_89, %lt3A_90 : i32
      %convert_element_type3A_92 = arith.extui %lt3A_91 : i1 to i32
      %cond3A_93 = arith.constant 0 : i32
      %cond3A_94 = arith.cmpi ne, %convert_element_type3A_92, %cond3A_93 : i32
      scf.if %cond3A_94 {
        %add3A_179 = arith.constant 2 : i32
        %add3A_180 = arith.addi %add3A_76, %add3A_179 : i32
        %add3A_181 = arith.addi %add3A_4, %add3A_180 : i32
        %mul3A_182 = arith.constant 128 : i32
        %mul3A_183 = arith.muli %add3A_181, %mul3A_182 : i32
        %dma_start3A_184 = arith.constant 1 : i32
        %dma_start3A_185 = arith.constant 0 : i32
        %dma_start3A_186 = tpu.memref_slice %arg3[%dma_start3A_184, %dma_start3A_185, %mul3A_183] : memref<2x2x320000xi32, #tpu.memory_space<hbm>> -> memref<1x2x128xi32, #tpu.memory_space<hbm>>
        %dma_start3A_187 = tpu.memref_squeeze %dma_start3A_186 : memref<1x2x128xi32, #tpu.memory_space<hbm>> -> memref<2x128xi32, #tpu.memory_space<hbm>>
        %dma_start3A_188 = arith.constant 0 : i32
        %dma_start3A_189 = tpu.memref_slice %arg3[%dma_start3A_184, %dma_start3A_188, %mul3A_183] : memref<2x2x320000xi32, #tpu.memory_space<hbm>> -> memref<1x2x128xi32, #tpu.memory_space<hbm>>
        %dma_start3A_190 = tpu.memref_squeeze %dma_start3A_189 : memref<1x2x128xi32, #tpu.memory_space<hbm>> -> memref<2x128xi32, #tpu.memory_space<hbm>>
        tpu.enqueue_dma source(%dma_start3A_190 : memref<2x128xi32, #tpu.memory_space<hbm>>) target(%arg8 : memref<2x128xi32, #tpu.memory_space<vmem>>) target_semaphore(%arg15 : memref<!tpu.dma_semaphore, #tpu.memory_space<semaphore_mem>>)
      } else {
      }
      %dma_wait3A_95 = arith.constant 0 : i32
      %dma_wait3A_96 = arith.constant 0 : i32
      %dma_wait3A_97 = tpu.memref_slice %arg6[%dma_wait3A_95, %dma_wait3A_96] : memref<2x128xi32, #tpu.memory_space<vmem>> -> memref<1x128xi32, #tpu.memory_space<vmem>>
      %dma_wait3A_98 = tpu.memref_squeeze %dma_wait3A_97 : memref<1x128xi32, #tpu.memory_space<vmem>> -> memref<128xi32, #tpu.memory_space<vmem>>
      %dma_wait3A_99 = arith.constant 0 : i32
      %dma_wait3A_100 = arith.constant 0 : i32
      %dma_wait3A_101 = tpu.memref_slice %arg2[%dma_wait3A_99, %dma_wait3A_100] : memref<10000x128xf32, #tpu.memory_space<hbm>> -> memref<10000x128xf32, #tpu.memory_space<hbm>>
      tpu.wait_indirect_dma semaphore(%arg16 : memref<!tpu.dma_semaphore, #tpu.memory_space<semaphore_mem>>) src(%dma_wait3A_101 : memref<10000x128xf32, #tpu.memory_space<hbm>>) dst(%arg9 : memref<128x128xf32, #tpu.memory_space<vmem>>)
      %dma_start3A_102 = arith.constant 1 : i32
      %dma_start3A_103 = arith.constant 0 : i32
      %dma_start3A_104 = tpu.memref_slice %arg6[%dma_start3A_102, %dma_start3A_103] : memref<2x128xi32, #tpu.memory_space<vmem>> -> memref<1x128xi32, #tpu.memory_space<vmem>>
      %dma_start3A_105 = tpu.memref_squeeze %dma_start3A_104 : memref<1x128xi32, #tpu.memory_space<vmem>> -> memref<128xi32, #tpu.memory_space<vmem>>
      %dma_start3A_106 = arith.constant 0 : i32
      %dma_start3A_107 = arith.constant 0 : i32
      %dma_start3A_108 = tpu.memref_slice %arg12[%dma_start3A_106, %dma_start3A_107] : memref<10000x128xf32, #tpu.memory_space<vmem_shared>> -> memref<10000x128xf32, #tpu.memory_space<vmem_shared>>
      tpu.enqueue_indirect_dma source(%arg9 : memref<128x128xf32, #tpu.memory_space<vmem>>) target(%dma_start3A_108 : memref<10000x128xf32, #tpu.memory_space<vmem_shared>>) offsets(%dma_start3A_105 : memref<128xi32, #tpu.memory_space<vmem>>) semaphore(%arg19 : memref<!tpu.dma_semaphore, #tpu.memory_space<semaphore_mem>>) {add = true}
      %add3A_109 = arith.constant 1 : i32
      %add3A_110 = arith.addi %add3A_74, %add3A_109 : i32
      %add3A_111 = arith.constant 1 : i32
      %add3A_112 = arith.addi %add3A_110, %add3A_111 : i32
      %lt3A_113 = arith.constant 78 : i32
      %lt3A_114 = arith.cmpi slt, %add3A_112, %lt3A_113 : i32
      %convert_element_type3A_115 = arith.extui %lt3A_114 : i1 to i32
      %cond3A_116 = arith.constant 0 : i32
      %cond3A_117 = arith.cmpi ne, %convert_element_type3A_115, %cond3A_116 : i32
      scf.if %cond3A_117 {
        %dma_wait3A_179 = arith.constant 1 : i32
        %dma_wait3A_180 = arith.constant 0 : i32
        %dma_wait3A_181 = arith.constant 0 : i32
        %dma_wait3A_182 = tpu.memref_slice %arg3[%dma_wait3A_179, %dma_wait3A_180, %dma_wait3A_181] : memref<2x2x320000xi32, #tpu.memory_space<hbm>> -> memref<1x2x128xi32, #tpu.memory_space<hbm>>
        %dma_wait3A_183 = tpu.memref_squeeze %dma_wait3A_182 : memref<1x2x128xi32, #tpu.memory_space<hbm>> -> memref<2x128xi32, #tpu.memory_space<hbm>>
        %dma_wait3A_184 = arith.constant 0 : i32
        %dma_wait3A_185 = arith.constant 0 : i32
        %dma_wait3A_186 = tpu.memref_slice %arg3[%dma_wait3A_179, %dma_wait3A_184, %dma_wait3A_185] : memref<2x2x320000xi32, #tpu.memory_space<hbm>> -> memref<1x2x128xi32, #tpu.memory_space<hbm>>
        %dma_wait3A_187 = tpu.memref_squeeze %dma_wait3A_186 : memref<1x2x128xi32, #tpu.memory_space<hbm>> -> memref<2x128xi32, #tpu.memory_space<hbm>>
        tpu.wait_dma2 semaphore(%arg15 : memref<!tpu.dma_semaphore, #tpu.memory_space<semaphore_mem>>) src(%dma_wait3A_187 : memref<2x128xi32, #tpu.memory_space<hbm>>) dst(%arg8 : memref<2x128xi32, #tpu.memory_space<vmem>>)
        %dma_start3A_188 = arith.constant 0 : i32
        %dma_start3A_189 = arith.constant 0 : i32
        %dma_start3A_190 = tpu.memref_slice %arg8[%dma_start3A_188, %dma_start3A_189] : memref<2x128xi32, #tpu.memory_space<vmem>> -> memref<1x128xi32, #tpu.memory_space<vmem>>
        %dma_start3A_191 = tpu.memref_squeeze %dma_start3A_190 : memref<1x128xi32, #tpu.memory_space<vmem>> -> memref<128xi32, #tpu.memory_space<vmem>>
        %dma_start3A_192 = arith.constant 0 : i32
        %dma_start3A_193 = arith.constant 0 : i32
        %dma_start3A_194 = tpu.memref_slice %arg2[%dma_start3A_192, %dma_start3A_193] : memref<10000x128xf32, #tpu.memory_space<hbm>> -> memref<10000x128xf32, #tpu.memory_space<hbm>>
        tpu.enqueue_indirect_dma source(%dma_start3A_194 : memref<10000x128xf32, #tpu.memory_space<hbm>>) target(%arg11 : memref<128x128xf32, #tpu.memory_space<vmem>>) offsets(%dma_start3A_191 : memref<128xi32, #tpu.memory_space<vmem>>) semaphore(%arg18 : memref<!tpu.dma_semaphore, #tpu.memory_space<semaphore_mem>>)
      } else {
      }
      %ge3A_118 = arith.constant 1 : i32
      %ge3A_119 = arith.cmpi sge, %add3A_110, %ge3A_118 : i32
      %convert_element_type3A_120 = arith.extui %ge3A_119 : i1 to i32
      %cond3A_121 = arith.constant 0 : i32
      %cond3A_122 = arith.cmpi ne, %convert_element_type3A_120, %cond3A_121 : i32
      scf.if %cond3A_122 {
        %dma_wait3A_179 = arith.constant 1 : i32
        %dma_wait3A_180 = arith.constant 0 : i32
        %dma_wait3A_181 = tpu.memref_slice %arg6[%dma_wait3A_179, %dma_wait3A_180] : memref<2x128xi32, #tpu.memory_space<vmem>> -> memref<1x128xi32, #tpu.memory_space<vmem>>
        %dma_wait3A_182 = tpu.memref_squeeze %dma_wait3A_181 : memref<1x128xi32, #tpu.memory_space<vmem>> -> memref<128xi32, #tpu.memory_space<vmem>>
        %dma_wait3A_183 = arith.constant 0 : i32
        %dma_wait3A_184 = arith.constant 0 : i32
        %dma_wait3A_185 = tpu.memref_slice %arg12[%dma_wait3A_183, %dma_wait3A_184] : memref<10000x128xf32, #tpu.memory_space<vmem_shared>> -> memref<10000x128xf32, #tpu.memory_space<vmem_shared>>
        tpu.wait_indirect_dma semaphore(%arg19 : memref<!tpu.dma_semaphore, #tpu.memory_space<semaphore_mem>>) src(%arg9 : memref<128x128xf32, #tpu.memory_space<vmem>>) dst(%dma_wait3A_185 : memref<10000x128xf32, #tpu.memory_space<vmem_shared>>)
      } else {
      }
      %add3A_123 = arith.constant 2 : i32
      %add3A_124 = arith.addi %add3A_110, %add3A_123 : i32
      %lt3A_125 = arith.constant 78 : i32
      %lt3A_126 = arith.cmpi slt, %add3A_124, %lt3A_125 : i32
      %convert_element_type3A_127 = arith.extui %lt3A_126 : i1 to i32
      %cond3A_128 = arith.constant 0 : i32
      %cond3A_129 = arith.cmpi ne, %convert_element_type3A_127, %cond3A_128 : i32
      scf.if %cond3A_129 {
        %add3A_179 = arith.constant 2 : i32
        %add3A_180 = arith.addi %add3A_110, %add3A_179 : i32
        %add3A_181 = arith.addi %add3A_4, %add3A_180 : i32
        %mul3A_182 = arith.constant 128 : i32
        %mul3A_183 = arith.muli %add3A_181, %mul3A_182 : i32
        %dma_start3A_184 = arith.constant 1 : i32
        %dma_start3A_185 = arith.constant 0 : i32
        %dma_start3A_186 = tpu.memref_slice %arg3[%dma_start3A_184, %dma_start3A_185, %mul3A_183] : memref<2x2x320000xi32, #tpu.memory_space<hbm>> -> memref<1x2x128xi32, #tpu.memory_space<hbm>>
        %dma_start3A_187 = tpu.memref_squeeze %dma_start3A_186 : memref<1x2x128xi32, #tpu.memory_space<hbm>> -> memref<2x128xi32, #tpu.memory_space<hbm>>
        %dma_start3A_188 = arith.constant 0 : i32
        %dma_start3A_189 = tpu.memref_slice %arg3[%dma_start3A_184, %dma_start3A_188, %mul3A_183] : memref<2x2x320000xi32, #tpu.memory_space<hbm>> -> memref<1x2x128xi32, #tpu.memory_space<hbm>>
        %dma_start3A_190 = tpu.memref_squeeze %dma_start3A_189 : memref<1x2x128xi32, #tpu.memory_space<hbm>> -> memref<2x128xi32, #tpu.memory_space<hbm>>
        tpu.enqueue_dma source(%dma_start3A_190 : memref<2x128xi32, #tpu.memory_space<hbm>>) target(%arg6 : memref<2x128xi32, #tpu.memory_space<vmem>>) target_semaphore(%arg13 : memref<!tpu.dma_semaphore, #tpu.memory_space<semaphore_mem>>)
      } else {
      }
      %dma_wait3A_130 = arith.constant 0 : i32
      %dma_wait3A_131 = arith.constant 0 : i32
      %dma_wait3A_132 = tpu.memref_slice %arg7[%dma_wait3A_130, %dma_wait3A_131] : memref<2x128xi32, #tpu.memory_space<vmem>> -> memref<1x128xi32, #tpu.memory_space<vmem>>
      %dma_wait3A_133 = tpu.memref_squeeze %dma_wait3A_132 : memref<1x128xi32, #tpu.memory_space<vmem>> -> memref<128xi32, #tpu.memory_space<vmem>>
      %dma_wait3A_134 = arith.constant 0 : i32
      %dma_wait3A_135 = arith.constant 0 : i32
      %dma_wait3A_136 = tpu.memref_slice %arg2[%dma_wait3A_134, %dma_wait3A_135] : memref<10000x128xf32, #tpu.memory_space<hbm>> -> memref<10000x128xf32, #tpu.memory_space<hbm>>
      tpu.wait_indirect_dma semaphore(%arg17 : memref<!tpu.dma_semaphore, #tpu.memory_space<semaphore_mem>>) src(%dma_wait3A_136 : memref<10000x128xf32, #tpu.memory_space<hbm>>) dst(%arg10 : memref<128x128xf32, #tpu.memory_space<vmem>>)
      %dma_start3A_137 = arith.constant 1 : i32
      %dma_start3A_138 = arith.constant 0 : i32
      %dma_start3A_139 = tpu.memref_slice %arg7[%dma_start3A_137, %dma_start3A_138] : memref<2x128xi32, #tpu.memory_space<vmem>> -> memref<1x128xi32, #tpu.memory_space<vmem>>
      %dma_start3A_140 = tpu.memref_squeeze %dma_start3A_139 : memref<1x128xi32, #tpu.memory_space<vmem>> -> memref<128xi32, #tpu.memory_space<vmem>>
      %dma_start3A_141 = arith.constant 0 : i32
      %dma_start3A_142 = arith.constant 0 : i32
      %dma_start3A_143 = tpu.memref_slice %arg12[%dma_start3A_141, %dma_start3A_142] : memref<10000x128xf32, #tpu.memory_space<vmem_shared>> -> memref<10000x128xf32, #tpu.memory_space<vmem_shared>>
      tpu.enqueue_indirect_dma source(%arg10 : memref<128x128xf32, #tpu.memory_space<vmem>>) target(%dma_start3A_143 : memref<10000x128xf32, #tpu.memory_space<vmem_shared>>) offsets(%dma_start3A_140 : memref<128xi32, #tpu.memory_space<vmem>>) semaphore(%arg20 : memref<!tpu.dma_semaphore, #tpu.memory_space<semaphore_mem>>) {add = true}
      %add3A_144 = arith.constant 2 : i32
      %add3A_145 = arith.addi %add3A_74, %add3A_144 : i32
      %add3A_146 = arith.constant 1 : i32
      %add3A_147 = arith.addi %add3A_145, %add3A_146 : i32
      %lt3A_148 = arith.constant 78 : i32
      %lt3A_149 = arith.cmpi slt, %add3A_147, %lt3A_148 : i32
      %convert_element_type3A_150 = arith.extui %lt3A_149 : i1 to i32
      %cond3A_151 = arith.constant 0 : i32
      %cond3A_152 = arith.cmpi ne, %convert_element_type3A_150, %cond3A_151 : i32
      scf.if %cond3A_152 {
        %dma_wait3A_179 = arith.constant 1 : i32
        %dma_wait3A_180 = arith.constant 0 : i32
        %dma_wait3A_181 = arith.constant 0 : i32
        %dma_wait3A_182 = tpu.memref_slice %arg3[%dma_wait3A_179, %dma_wait3A_180, %dma_wait3A_181] : memref<2x2x320000xi32, #tpu.memory_space<hbm>> -> memref<1x2x128xi32, #tpu.memory_space<hbm>>
        %dma_wait3A_183 = tpu.memref_squeeze %dma_wait3A_182 : memref<1x2x128xi32, #tpu.memory_space<hbm>> -> memref<2x128xi32, #tpu.memory_space<hbm>>
        %dma_wait3A_184 = arith.constant 0 : i32
        %dma_wait3A_185 = arith.constant 0 : i32
        %dma_wait3A_186 = tpu.memref_slice %arg3[%dma_wait3A_179, %dma_wait3A_184, %dma_wait3A_185] : memref<2x2x320000xi32, #tpu.memory_space<hbm>> -> memref<1x2x128xi32, #tpu.memory_space<hbm>>
        %dma_wait3A_187 = tpu.memref_squeeze %dma_wait3A_186 : memref<1x2x128xi32, #tpu.memory_space<hbm>> -> memref<2x128xi32, #tpu.memory_space<hbm>>
        tpu.wait_dma2 semaphore(%arg13 : memref<!tpu.dma_semaphore, #tpu.memory_space<semaphore_mem>>) src(%dma_wait3A_187 : memref<2x128xi32, #tpu.memory_space<hbm>>) dst(%arg6 : memref<2x128xi32, #tpu.memory_space<vmem>>)
        %dma_start3A_188 = arith.constant 0 : i32
        %dma_start3A_189 = arith.constant 0 : i32
        %dma_start3A_190 = tpu.memref_slice %arg6[%dma_start3A_188, %dma_start3A_189] : memref<2x128xi32, #tpu.memory_space<vmem>> -> memref<1x128xi32, #tpu.memory_space<vmem>>
        %dma_start3A_191 = tpu.memref_squeeze %dma_start3A_190 : memref<1x128xi32, #tpu.memory_space<vmem>> -> memref<128xi32, #tpu.memory_space<vmem>>
        %dma_start3A_192 = arith.constant 0 : i32
        %dma_start3A_193 = arith.constant 0 : i32
        %dma_start3A_194 = tpu.memref_slice %arg2[%dma_start3A_192, %dma_start3A_193] : memref<10000x128xf32, #tpu.memory_space<hbm>> -> memref<10000x128xf32, #tpu.memory_space<hbm>>
        tpu.enqueue_indirect_dma source(%dma_start3A_194 : memref<10000x128xf32, #tpu.memory_space<hbm>>) target(%arg9 : memref<128x128xf32, #tpu.memory_space<vmem>>) offsets(%dma_start3A_191 : memref<128xi32, #tpu.memory_space<vmem>>) semaphore(%arg16 : memref<!tpu.dma_semaphore, #tpu.memory_space<semaphore_mem>>)
      } else {
      }
      %ge3A_153 = arith.constant 1 : i32
      %ge3A_154 = arith.cmpi sge, %add3A_145, %ge3A_153 : i32
      %convert_element_type3A_155 = arith.extui %ge3A_154 : i1 to i32
      %cond3A_156 = arith.constant 0 : i32
      %cond3A_157 = arith.cmpi ne, %convert_element_type3A_155, %cond3A_156 : i32
      scf.if %cond3A_157 {
        %dma_wait3A_179 = arith.constant 1 : i32
        %dma_wait3A_180 = arith.constant 0 : i32
        %dma_wait3A_181 = tpu.memref_slice %arg7[%dma_wait3A_179, %dma_wait3A_180] : memref<2x128xi32, #tpu.memory_space<vmem>> -> memref<1x128xi32, #tpu.memory_space<vmem>>
        %dma_wait3A_182 = tpu.memref_squeeze %dma_wait3A_181 : memref<1x128xi32, #tpu.memory_space<vmem>> -> memref<128xi32, #tpu.memory_space<vmem>>
        %dma_wait3A_183 = arith.constant 0 : i32
        %dma_wait3A_184 = arith.constant 0 : i32
        %dma_wait3A_185 = tpu.memref_slice %arg12[%dma_wait3A_183, %dma_wait3A_184] : memref<10000x128xf32, #tpu.memory_space<vmem_shared>> -> memref<10000x128xf32, #tpu.memory_space<vmem_shared>>
        tpu.wait_indirect_dma semaphore(%arg20 : memref<!tpu.dma_semaphore, #tpu.memory_space<semaphore_mem>>) src(%arg10 : memref<128x128xf32, #tpu.memory_space<vmem>>) dst(%dma_wait3A_185 : memref<10000x128xf32, #tpu.memory_space<vmem_shared>>)
      } else {
      }
      %add3A_158 = arith.constant 2 : i32
      %add3A_159 = arith.addi %add3A_145, %add3A_158 : i32
      %lt3A_160 = arith.constant 78 : i32
      %lt3A_161 = arith.cmpi slt, %add3A_159, %lt3A_160 : i32
      %convert_element_type3A_162 = arith.extui %lt3A_161 : i1 to i32
      %cond3A_163 = arith.constant 0 : i32
      %cond3A_164 = arith.cmpi ne, %convert_element_type3A_162, %cond3A_163 : i32
      scf.if %cond3A_164 {
        %add3A_179 = arith.constant 2 : i32
        %add3A_180 = arith.addi %add3A_145, %add3A_179 : i32
        %add3A_181 = arith.addi %add3A_4, %add3A_180 : i32
        %mul3A_182 = arith.constant 128 : i32
        %mul3A_183 = arith.muli %add3A_181, %mul3A_182 : i32
        %dma_start3A_184 = arith.constant 1 : i32
        %dma_start3A_185 = arith.constant 0 : i32
        %dma_start3A_186 = tpu.memref_slice %arg3[%dma_start3A_184, %dma_start3A_185, %mul3A_183] : memref<2x2x320000xi32, #tpu.memory_space<hbm>> -> memref<1x2x128xi32, #tpu.memory_space<hbm>>
        %dma_start3A_187 = tpu.memref_squeeze %dma_start3A_186 : memref<1x2x128xi32, #tpu.memory_space<hbm>> -> memref<2x128xi32, #tpu.memory_space<hbm>>
        %dma_start3A_188 = arith.constant 0 : i32
        %dma_start3A_189 = tpu.memref_slice %arg3[%dma_start3A_184, %dma_start3A_188, %mul3A_183] : memref<2x2x320000xi32, #tpu.memory_space<hbm>> -> memref<1x2x128xi32, #tpu.memory_space<hbm>>
        %dma_start3A_190 = tpu.memref_squeeze %dma_start3A_189 : memref<1x2x128xi32, #tpu.memory_space<hbm>> -> memref<2x128xi32, #tpu.memory_space<hbm>>
        tpu.enqueue_dma source(%dma_start3A_190 : memref<2x128xi32, #tpu.memory_space<hbm>>) target(%arg7 : memref<2x128xi32, #tpu.memory_space<vmem>>) target_semaphore(%arg14 : memref<!tpu.dma_semaphore, #tpu.memory_space<semaphore_mem>>)
      } else {
      }
      %dma_wait3A_165 = arith.constant 0 : i32
      %dma_wait3A_166 = arith.constant 0 : i32
      %dma_wait3A_167 = tpu.memref_slice %arg8[%dma_wait3A_165, %dma_wait3A_166] : memref<2x128xi32, #tpu.memory_space<vmem>> -> memref<1x128xi32, #tpu.memory_space<vmem>>
      %dma_wait3A_168 = tpu.memref_squeeze %dma_wait3A_167 : memref<1x128xi32, #tpu.memory_space<vmem>> -> memref<128xi32, #tpu.memory_space<vmem>>
      %dma_wait3A_169 = arith.constant 0 : i32
      %dma_wait3A_170 = arith.constant 0 : i32
      %dma_wait3A_171 = tpu.memref_slice %arg2[%dma_wait3A_169, %dma_wait3A_170] : memref<10000x128xf32, #tpu.memory_space<hbm>> -> memref<10000x128xf32, #tpu.memory_space<hbm>>
      tpu.wait_indirect_dma semaphore(%arg18 : memref<!tpu.dma_semaphore, #tpu.memory_space<semaphore_mem>>) src(%dma_wait3A_171 : memref<10000x128xf32, #tpu.memory_space<hbm>>) dst(%arg11 : memref<128x128xf32, #tpu.memory_space<vmem>>)
      %dma_start3A_172 = arith.constant 1 : i32
      %dma_start3A_173 = arith.constant 0 : i32
      %dma_start3A_174 = tpu.memref_slice %arg8[%dma_start3A_172, %dma_start3A_173] : memref<2x128xi32, #tpu.memory_space<vmem>> -> memref<1x128xi32, #tpu.memory_space<vmem>>
      %dma_start3A_175 = tpu.memref_squeeze %dma_start3A_174 : memref<1x128xi32, #tpu.memory_space<vmem>> -> memref<128xi32, #tpu.memory_space<vmem>>
      %dma_start3A_176 = arith.constant 0 : i32
      %dma_start3A_177 = arith.constant 0 : i32
      %dma_start3A_178 = tpu.memref_slice %arg12[%dma_start3A_176, %dma_start3A_177] : memref<10000x128xf32, #tpu.memory_space<vmem_shared>> -> memref<10000x128xf32, #tpu.memory_space<vmem_shared>>
      tpu.enqueue_indirect_dma source(%arg11 : memref<128x128xf32, #tpu.memory_space<vmem>>) target(%dma_start3A_178 : memref<10000x128xf32, #tpu.memory_space<vmem_shared>>) offsets(%dma_start3A_175 : memref<128xi32, #tpu.memory_space<vmem>>) semaphore(%arg21 : memref<!tpu.dma_semaphore, #tpu.memory_space<semaphore_mem>>) {add = true}
    }
    %scan3A_48 = arith.constant 26 : i32
    %dma_wait3A_49 = arith.constant 1 : i32
    %dma_wait3A_50 = arith.constant 0 : i32
    %dma_wait3A_51 = tpu.memref_slice %arg8[%dma_wait3A_49, %dma_wait3A_50] : memref<2x128xi32, #tpu.memory_space<vmem>> -> memref<1x128xi32, #tpu.memory_space<vmem>>
    %dma_wait3A_52 = tpu.memref_squeeze %dma_wait3A_51 : memref<1x128xi32, #tpu.memory_space<vmem>> -> memref<128xi32, #tpu.memory_space<vmem>>
    %dma_wait3A_53 = arith.constant 0 : i32
    %dma_wait3A_54 = arith.constant 0 : i32
    %dma_wait3A_55 = tpu.memref_slice %arg12[%dma_wait3A_53, %dma_wait3A_54] : memref<10000x128xf32, #tpu.memory_space<vmem_shared>> -> memref<10000x128xf32, #tpu.memory_space<vmem_shared>>
    tpu.wait_indirect_dma semaphore(%arg21 : memref<!tpu.dma_semaphore, #tpu.memory_space<semaphore_mem>>) src(%arg11 : memref<128x128xf32, #tpu.memory_space<vmem>>) dst(%dma_wait3A_55 : memref<10000x128xf32, #tpu.memory_space<vmem_shared>>)
    %lt3A = arith.constant 4 : i32
    %lt3A_56 = arith.cmpi slt, %add3A, %lt3A : i32
    %convert_element_type3A_57 = arith.extui %lt3A_56 : i1 to i32
    %cond3A_58 = arith.constant 0 : i32
    %cond3A_59 = arith.cmpi ne, %convert_element_type3A_57, %cond3A_58 : i32
    scf.if %cond3A_59 {
      %add3A_70 = arith.constant 78 : i32
      %add3A_71 = arith.addi %add3A_4, %add3A_70 : i32
      %mul3A_72 = arith.constant 128 : i32
      %mul3A_73 = arith.muli %add3A_71, %mul3A_72 : i32
      %run_scoped3A = arith.constant 1 : i32
      "tpu.region"() ({
        %run_scoped3A_89 = tpu.sem_alloc : memref<!tpu.dma_semaphore, #tpu.memory_space<semaphore_mem>>
        %dma_start3A_90 = arith.constant 0 : i32
        %dma_start3A_91 = tpu.memref_slice %arg3[%run_scoped3A, %dma_start3A_90, %mul3A_73] : memref<2x2x320000xi32, #tpu.memory_space<hbm>> -> memref<1x2x128xi32, #tpu.memory_space<hbm>>
        %dma_start3A_92 = tpu.memref_squeeze %dma_start3A_91 : memref<1x2x128xi32, #tpu.memory_space<hbm>> -> memref<2x128xi32, #tpu.memory_space<hbm>>
        %dma_start3A_93 = arith.constant 0 : i32
        %dma_start3A_94 = tpu.memref_slice %arg3[%run_scoped3A, %dma_start3A_93, %mul3A_73] : memref<2x2x320000xi32, #tpu.memory_space<hbm>> -> memref<1x2x128xi32, #tpu.memory_space<hbm>>
        %dma_start3A_95 = tpu.memref_squeeze %dma_start3A_94 : memref<1x2x128xi32, #tpu.memory_space<hbm>> -> memref<2x128xi32, #tpu.memory_space<hbm>>
        tpu.enqueue_dma source(%dma_start3A_95 : memref<2x128xi32, #tpu.memory_space<hbm>>) target(%arg6 : memref<2x128xi32, #tpu.memory_space<vmem>>) target_semaphore(%run_scoped3A_89 : memref<!tpu.dma_semaphore, #tpu.memory_space<semaphore_mem>>)
        %dma_wait3A_96 = arith.constant 0 : i32
        %dma_wait3A_97 = tpu.memref_slice %arg3[%run_scoped3A, %dma_wait3A_96, %mul3A_73] : memref<2x2x320000xi32, #tpu.memory_space<hbm>> -> memref<1x2x128xi32, #tpu.memory_space<hbm>>
        %dma_wait3A_98 = tpu.memref_squeeze %dma_wait3A_97 : memref<1x2x128xi32, #tpu.memory_space<hbm>> -> memref<2x128xi32, #tpu.memory_space<hbm>>
        %dma_wait3A_99 = arith.constant 0 : i32
        %dma_wait3A_100 = tpu.memref_slice %arg3[%run_scoped3A, %dma_wait3A_99, %mul3A_73] : memref<2x2x320000xi32, #tpu.memory_space<hbm>> -> memref<1x2x128xi32, #tpu.memory_space<hbm>>
        %dma_wait3A_101 = tpu.memref_squeeze %dma_wait3A_100 : memref<1x2x128xi32, #tpu.memory_space<hbm>> -> memref<2x128xi32, #tpu.memory_space<hbm>>
        tpu.wait_dma2 semaphore(%run_scoped3A_89 : memref<!tpu.dma_semaphore, #tpu.memory_space<semaphore_mem>>) src(%dma_wait3A_101 : memref<2x128xi32, #tpu.memory_space<hbm>>) dst(%arg6 : memref<2x128xi32, #tpu.memory_space<vmem>>)
        tpu.yield
      }) : () -> ()
      %dma_start3A_74 = arith.constant 0 : i32
      %dma_start3A_75 = arith.constant 0 : i32
      %dma_start3A_76 = tpu.memref_slice %arg6[%dma_start3A_74, %dma_start3A_75] : memref<2x128xi32, #tpu.memory_space<vmem>> -> memref<1x128xi32, #tpu.memory_space<vmem>>
      %dma_start3A_77 = tpu.memref_squeeze %dma_start3A_76 : memref<1x128xi32, #tpu.memory_space<vmem>> -> memref<128xi32, #tpu.memory_space<vmem>>
      %dma_start3A_78 = arith.constant 0 : i32
      %dma_start3A_79 = arith.constant 0 : i32
      %dma_start3A_80 = tpu.memref_slice %arg2[%dma_start3A_78, %dma_start3A_79] : memref<10000x128xf32, #tpu.memory_space<hbm>> -> memref<10000x128xf32, #tpu.memory_space<hbm>>
      tpu.enqueue_indirect_dma source(%dma_start3A_80 : memref<10000x128xf32, #tpu.memory_space<hbm>>) target(%arg9 : memref<128x128xf32, #tpu.memory_space<vmem>>) offsets(%dma_start3A_77 : memref<128xi32, #tpu.memory_space<vmem>>) semaphore(%arg16 : memref<!tpu.dma_semaphore, #tpu.memory_space<semaphore_mem>>)
      %dma_wait3A_81 = arith.constant 0 : i32
      %dma_wait3A_82 = arith.constant 0 : i32
      %dma_wait3A_83 = tpu.memref_slice %arg6[%dma_wait3A_81, %dma_wait3A_82] : memref<2x128xi32, #tpu.memory_space<vmem>> -> memref<1x128xi32, #tpu.memory_space<vmem>>
      %dma_wait3A_84 = tpu.memref_squeeze %dma_wait3A_83 : memref<1x128xi32, #tpu.memory_space<vmem>> -> memref<128xi32, #tpu.memory_space<vmem>>
      %dma_wait3A_85 = arith.constant 0 : i32
      %dma_wait3A_86 = arith.constant 0 : i32
      %dma_wait3A_87 = tpu.memref_slice %arg2[%dma_wait3A_85, %dma_wait3A_86] : memref<10000x128xf32, #tpu.memory_space<hbm>> -> memref<10000x128xf32, #tpu.memory_space<hbm>>
      tpu.wait_indirect_dma semaphore(%arg16 : memref<!tpu.dma_semaphore, #tpu.memory_space<semaphore_mem>>) src(%dma_wait3A_87 : memref<10000x128xf32, #tpu.memory_space<hbm>>) dst(%arg9 : memref<128x128xf32, #tpu.memory_space<vmem>>)
      %run_scoped3A_88 = arith.constant 1 : i32
      "tpu.region"() ({
        %run_scoped3A_89 = tpu.sem_alloc : memref<!tpu.dma_semaphore, #tpu.memory_space<semaphore_mem>>
        %dma_start3A_90 = arith.constant 0 : i32
        %dma_start3A_91 = tpu.memref_slice %arg6[%run_scoped3A_88, %dma_start3A_90] : memref<2x128xi32, #tpu.memory_space<vmem>> -> memref<1x128xi32, #tpu.memory_space<vmem>>
        %dma_start3A_92 = tpu.memref_squeeze %dma_start3A_91 : memref<1x128xi32, #tpu.memory_space<vmem>> -> memref<128xi32, #tpu.memory_space<vmem>>
        %dma_start3A_93 = arith.constant 0 : i32
        %dma_start3A_94 = arith.constant 0 : i32
        %dma_start3A_95 = tpu.memref_slice %arg12[%dma_start3A_93, %dma_start3A_94] : memref<10000x128xf32, #tpu.memory_space<vmem_shared>> -> memref<10000x128xf32, #tpu.memory_space<vmem_shared>>
        tpu.enqueue_indirect_dma source(%arg9 : memref<128x128xf32, #tpu.memory_space<vmem>>) target(%dma_start3A_95 : memref<10000x128xf32, #tpu.memory_space<vmem_shared>>) offsets(%dma_start3A_92 : memref<128xi32, #tpu.memory_space<vmem>>) semaphore(%run_scoped3A_89 : memref<!tpu.dma_semaphore, #tpu.memory_space<semaphore_mem>>) {add = true}
        %dma_wait3A_96 = arith.constant 0 : i32
        %dma_wait3A_97 = tpu.memref_slice %arg6[%run_scoped3A_88, %dma_wait3A_96] : memref<2x128xi32, #tpu.memory_space<vmem>> -> memref<1x128xi32, #tpu.memory_space<vmem>>
        %dma_wait3A_98 = tpu.memref_squeeze %dma_wait3A_97 : memref<1x128xi32, #tpu.memory_space<vmem>> -> memref<128xi32, #tpu.memory_space<vmem>>
        %dma_wait3A_99 = arith.constant 0 : i32
        %dma_wait3A_100 = arith.constant 0 : i32
        %dma_wait3A_101 = tpu.memref_slice %arg12[%dma_wait3A_99, %dma_wait3A_100] : memref<10000x128xf32, #tpu.memory_space<vmem_shared>> -> memref<10000x128xf32, #tpu.memory_space<vmem_shared>>
        tpu.wait_indirect_dma semaphore(%run_scoped3A_89 : memref<!tpu.dma_semaphore, #tpu.memory_space<semaphore_mem>>) src(%arg9 : memref<128x128xf32, #tpu.memory_space<vmem>>) dst(%dma_wait3A_101 : memref<10000x128xf32, #tpu.memory_space<vmem_shared>>)
        tpu.yield
      }) : () -> ()
    } else {
    }
    %barrier3A_60 = arith.constant 0 : index
    tpu.barrier barrier_id(%barrier3A_60)
    %mul3A_61 = arith.constant 624 : i32
    %mul3A_62 = arith.muli %arg1, %mul3A_61 : i32
    %mul3A_63 = arith.constant 624 : i32
    %mul3A_64 = arith.muli %arg1, %mul3A_63 : i32
    "tpu.region"() ({
      %run_scoped3A = tpu.sem_alloc : memref<!tpu.dma_semaphore, #tpu.memory_space<semaphore_mem>>
      %dma_start3A_70 = arith.constant 0 : i32
      %dma_start3A_71 = tpu.memref_slice %arg5[%arg0, %mul3A_64, %dma_start3A_70] : memref<2x10000x128xf32, #tpu.memory_space<hbm>> -> memref<1x624x128xf32, #tpu.memory_space<hbm>>
      %dma_start3A_72 = tpu.memref_squeeze %dma_start3A_71 : memref<1x624x128xf32, #tpu.memory_space<hbm>> -> memref<624x128xf32, #tpu.memory_space<hbm>>
      %dma_start3A_73 = arith.constant 0 : i32
      %dma_start3A_74 = tpu.memref_slice %arg12[%mul3A_62, %dma_start3A_73] : memref<10000x128xf32, #tpu.memory_space<vmem_shared>> -> memref<624x128xf32, #tpu.memory_space<vmem_shared>>
      tpu.enqueue_dma source(%dma_start3A_74 : memref<624x128xf32, #tpu.memory_space<vmem_shared>>) target(%dma_start3A_72 : memref<624x128xf32, #tpu.memory_space<hbm>>) target_semaphore(%run_scoped3A : memref<!tpu.dma_semaphore, #tpu.memory_space<semaphore_mem>>)
      %dma_wait3A_75 = arith.constant 0 : i32
      %dma_wait3A_76 = tpu.memref_slice %arg5[%arg0, %mul3A_64, %dma_wait3A_75] : memref<2x10000x128xf32, #tpu.memory_space<hbm>> -> memref<1x624x128xf32, #tpu.memory_space<hbm>>
      %dma_wait3A_77 = tpu.memref_squeeze %dma_wait3A_76 : memref<1x624x128xf32, #tpu.memory_space<hbm>> -> memref<624x128xf32, #tpu.memory_space<hbm>>
      %dma_wait3A_78 = arith.constant 0 : i32
      %dma_wait3A_79 = tpu.memref_slice %arg12[%mul3A_62, %dma_wait3A_78] : memref<10000x128xf32, #tpu.memory_space<vmem_shared>> -> memref<624x128xf32, #tpu.memory_space<vmem_shared>>
      tpu.wait_dma2 semaphore(%run_scoped3A : memref<!tpu.dma_semaphore, #tpu.memory_space<semaphore_mem>>) src(%dma_wait3A_79 : memref<624x128xf32, #tpu.memory_space<vmem_shared>>) dst(%dma_wait3A_77 : memref<624x128xf32, #tpu.memory_space<hbm>>)
      tpu.yield
    }) : () -> ()
    %eq3A_65 = arith.constant 0 : i32
    %eq3A_66 = arith.cmpi eq, %arg1, %eq3A_65 : i32
    %convert_element_type3A_67 = arith.extui %eq3A_66 : i1 to i32
    %cond3A_68 = arith.constant 0 : i32
    %cond3A_69 = arith.cmpi ne, %convert_element_type3A_67, %cond3A_68 : i32
    scf.if %cond3A_69 {
      "tpu.region"() ({
        %run_scoped3A = tpu.sem_alloc : memref<!tpu.dma_semaphore, #tpu.memory_space<semaphore_mem>>
        %dma_start3A_70 = arith.constant 9984 : i32
        %dma_start3A_71 = arith.constant 0 : i32
        %dma_start3A_72 = tpu.memref_slice %arg5[%arg0, %dma_start3A_70, %dma_start3A_71] : memref<2x10000x128xf32, #tpu.memory_space<hbm>> -> memref<1x16x128xf32, #tpu.memory_space<hbm>>
        %dma_start3A_73 = tpu.memref_squeeze %dma_start3A_72 : memref<1x16x128xf32, #tpu.memory_space<hbm>> -> memref<16x128xf32, #tpu.memory_space<hbm>>
        %dma_start3A_74 = arith.constant 9984 : i32
        %dma_start3A_75 = arith.constant 0 : i32
        %dma_start3A_76 = tpu.memref_slice %arg12[%dma_start3A_74, %dma_start3A_75] : memref<10000x128xf32, #tpu.memory_space<vmem_shared>> -> memref<16x128xf32, #tpu.memory_space<vmem_shared>>
        tpu.enqueue_dma source(%dma_start3A_76 : memref<16x128xf32, #tpu.memory_space<vmem_shared>>) target(%dma_start3A_73 : memref<16x128xf32, #tpu.memory_space<hbm>>) target_semaphore(%run_scoped3A : memref<!tpu.dma_semaphore, #tpu.memory_space<semaphore_mem>>)
        %dma_wait3A_77 = arith.constant 9984 : i32
        %dma_wait3A_78 = arith.constant 0 : i32
        %dma_wait3A_79 = tpu.memref_slice %arg5[%arg0, %dma_wait3A_77, %dma_wait3A_78] : memref<2x10000x128xf32, #tpu.memory_space<hbm>> -> memref<1x16x128xf32, #tpu.memory_space<hbm>>
        %dma_wait3A_80 = tpu.memref_squeeze %dma_wait3A_79 : memref<1x16x128xf32, #tpu.memory_space<hbm>> -> memref<16x128xf32, #tpu.memory_space<hbm>>
        %dma_wait3A_81 = arith.constant 9984 : i32
        %dma_wait3A_82 = arith.constant 0 : i32
        %dma_wait3A_83 = tpu.memref_slice %arg12[%dma_wait3A_81, %dma_wait3A_82] : memref<10000x128xf32, #tpu.memory_space<vmem_shared>> -> memref<16x128xf32, #tpu.memory_space<vmem_shared>>
        tpu.wait_dma2 semaphore(%run_scoped3A : memref<!tpu.dma_semaphore, #tpu.memory_space<semaphore_mem>>) src(%dma_wait3A_83 : memref<16x128xf32, #tpu.memory_space<vmem_shared>>) dst(%dma_wait3A_80 : memref<16x128xf32, #tpu.memory_space<hbm>>)
        tpu.yield
      }) : () -> ()
    } else {
    }
    return
  }
}

module attributes {stable_mosaic.version = 14 : i64} {
  func.func @_post_body(%arg0: i32, %arg1: memref<2x5000x128xf32, #tpu.memory_space<vmem>>, %arg2: memref<1x128xf32, #tpu.memory_space<vmem>>, %arg3: memref<5000x128xf32, #tpu.memory_space<vmem>>, %arg4: memref<256x256xf32, #tpu.memory_space<vmem>>, %arg5: memref<1x256xf32, #tpu.memory_space<vmem>>, %arg6: memref<256x256xf32, #tpu.memory_space<vmem>>, %arg7: memref<1x256xf32, #tpu.memory_space<vmem>>, %arg8: memref<256x128xf32, #tpu.memory_space<vmem>>, %arg9: memref<1x128xf32, #tpu.memory_space<vmem>>, %arg10: memref<5000x128xf32, #tpu.memory_space<vmem>>) attributes {dimension_semantics = [#tpu.dimension_semantics<arbitrary>], iteration_bounds = array<i64: 2>, scalar_prefetch = 0 : i64, scratch_operands = 0 : i64, tpu.core_type = #tpu.core_type<tc>, window_params = [{transform_indices = @transform_0, window_bounds = array<i64: 2, 5000, 128>}, {pipeline_mode = #tpu.pipeline_mode<synchronous>, transform_indices = @transform_1, window_bounds = array<i64: 1, 128>}, {transform_indices = @transform_2, window_bounds = array<i64: 5000, 128>}, {pipeline_mode = #tpu.pipeline_mode<synchronous>, transform_indices = @transform_3, window_bounds = array<i64: 256, 256>}, {pipeline_mode = #tpu.pipeline_mode<synchronous>, transform_indices = @transform_4, window_bounds = array<i64: 1, 256>}, {pipeline_mode = #tpu.pipeline_mode<synchronous>, transform_indices = @transform_5, window_bounds = array<i64: 256, 256>}, {pipeline_mode = #tpu.pipeline_mode<synchronous>, transform_indices = @transform_6, window_bounds = array<i64: 1, 256>}, {pipeline_mode = #tpu.pipeline_mode<synchronous>, transform_indices = @transform_7, window_bounds = array<i64: 256, 128>}, {pipeline_mode = #tpu.pipeline_mode<synchronous>, transform_indices = @transform_8, window_bounds = array<i64: 1, 128>}, {transform_indices = @transform_9, window_bounds = array<i64: 5000, 128>}]} {
    %get3A = arith.constant 0 : index
    %get3A_0 = arith.constant 0 : index
    %get3A_1 = arith.constant 0 : index
    %get3A_2 = vector.load %arg1[%get3A, %get3A_0, %get3A_1] : memref<2x5000x128xf32, #tpu.memory_space<vmem>>, vector<1x5000x128xf32>
    %get3A_3 = vector.shape_cast %get3A_2 : vector<1x5000x128xf32> to vector<5000x128xf32>
    %get3A_4 = arith.constant 1 : index
    %get3A_5 = arith.constant 0 : index
    %get3A_6 = arith.constant 0 : index
    %get3A_7 = vector.load %arg1[%get3A_4, %get3A_5, %get3A_6] : memref<2x5000x128xf32, #tpu.memory_space<vmem>>, vector<1x5000x128xf32>
    %get3A_8 = vector.shape_cast %get3A_7 : vector<1x5000x128xf32> to vector<5000x128xf32>
    %add3A = arith.addf %get3A_3, %get3A_8 : vector<5000x128xf32>
    %get3A_9 = arith.constant 0 : index
    %get3A_10 = arith.constant 0 : index
    %get3A_11 = vector.load %arg2[%get3A_9, %get3A_10] : memref<1x128xf32, #tpu.memory_space<vmem>>, vector<1x128xf32>
    %add3A_12 = vector.broadcast %get3A_11 : vector<1x128xf32> to vector<5000x128xf32>
    %add3A_13 = arith.addf %add3A, %add3A_12 : vector<5000x128xf32>
    %get3A_14 = arith.constant 0 : index
    %get3A_15 = arith.constant 0 : index
    %get3A_16 = vector.load %arg3[%get3A_14, %get3A_15] : memref<5000x128xf32, #tpu.memory_space<vmem>>, vector<5000x128xf32>
    %concatenate3A = tpu.concatenate %add3A_13, %get3A_16 in 1 : vector<5000x128xf32>, vector<5000x128xf32> -> vector<5000x256xf32>
    %get3A_17 = arith.constant 0 : index
    %get3A_18 = arith.constant 0 : index
    %get3A_19 = vector.load %arg4[%get3A_17, %get3A_18] : memref<256x256xf32, #tpu.memory_space<vmem>>, vector<256x256xf32>
    %dot_general3A = arith.constant dense<0.000000e+00> : vector<5000x256xf32>
    %dot_general3A_20 = tpu.matmul %concatenate3A, %get3A_19, %dot_general3A {dimension_numbers = #tpu.dot_dimension_numbers<[1], [0], [0], [1], [0, 0, 1, 1], [], []>, transpose_lhs_hint = false} : vector<5000x256xf32>, vector<256x256xf32>, vector<5000x256xf32> -> vector<5000x256xf32>
    %get3A_21 = arith.constant 0 : index
    %get3A_22 = arith.constant 0 : index
    %get3A_23 = vector.load %arg5[%get3A_21, %get3A_22] : memref<1x256xf32, #tpu.memory_space<vmem>>, vector<1x256xf32>
    %add3A_24 = vector.broadcast %get3A_23 : vector<1x256xf32> to vector<5000x256xf32>
    %add3A_25 = arith.addf %dot_general3A_20, %add3A_24 : vector<5000x256xf32>
    %max3A = arith.constant 0.000000e+00 : f32
    %max3A_26 = vector.broadcast %max3A : f32 to vector<5000x256xf32>
    %max3A_27 = arith.maximumf %add3A_25, %max3A_26 : vector<5000x256xf32>
    %get3A_28 = arith.constant 0 : index
    %get3A_29 = arith.constant 0 : index
    %get3A_30 = vector.load %arg6[%get3A_28, %get3A_29] : memref<256x256xf32, #tpu.memory_space<vmem>>, vector<256x256xf32>
    %dot_general3A_31 = arith.constant dense<0.000000e+00> : vector<5000x256xf32>
    %dot_general3A_32 = tpu.matmul %max3A_27, %get3A_30, %dot_general3A_31 {dimension_numbers = #tpu.dot_dimension_numbers<[1], [0], [0], [1], [0, 0, 1, 1], [], []>, transpose_lhs_hint = false} : vector<5000x256xf32>, vector<256x256xf32>, vector<5000x256xf32> -> vector<5000x256xf32>
    %get3A_33 = arith.constant 0 : index
    %get3A_34 = arith.constant 0 : index
    %get3A_35 = vector.load %arg7[%get3A_33, %get3A_34] : memref<1x256xf32, #tpu.memory_space<vmem>>, vector<1x256xf32>
    %add3A_36 = vector.broadcast %get3A_35 : vector<1x256xf32> to vector<5000x256xf32>
    %add3A_37 = arith.addf %dot_general3A_32, %add3A_36 : vector<5000x256xf32>
    %max3A_38 = arith.constant 0.000000e+00 : f32
    %max3A_39 = vector.broadcast %max3A_38 : f32 to vector<5000x256xf32>
    %max3A_40 = arith.maximumf %add3A_37, %max3A_39 : vector<5000x256xf32>
    %get3A_41 = arith.constant 0 : index
    %get3A_42 = arith.constant 0 : index
    %get3A_43 = vector.load %arg8[%get3A_41, %get3A_42] : memref<256x128xf32, #tpu.memory_space<vmem>>, vector<256x128xf32>
    %dot_general3A_44 = arith.constant dense<0.000000e+00> : vector<5000x128xf32>
    %dot_general3A_45 = tpu.matmul %max3A_40, %get3A_43, %dot_general3A_44 {dimension_numbers = #tpu.dot_dimension_numbers<[1], [0], [0], [1], [0, 0, 1, 1], [], []>, transpose_lhs_hint = false} : vector<5000x256xf32>, vector<256x128xf32>, vector<5000x128xf32> -> vector<5000x128xf32>
    %get3A_46 = arith.constant 0 : index
    %get3A_47 = arith.constant 0 : index
    %get3A_48 = vector.load %arg9[%get3A_46, %get3A_47] : memref<1x128xf32, #tpu.memory_space<vmem>>, vector<1x128xf32>
    %add3A_49 = vector.broadcast %get3A_48 : vector<1x128xf32> to vector<5000x128xf32>
    %add3A_50 = arith.addf %dot_general3A_45, %add3A_49 : vector<5000x128xf32>
    %reduce_max3A = arith.constant dense<0xFF800000> : vector<5000xf32>
    %reduce_max3A_51 = vector.multi_reduction <maximumf>, %add3A_50, %reduce_max3A [1] : vector<5000x128xf32> to vector<5000xf32>
    %broadcast_in_dim3A = vector.shape_cast %reduce_max3A_51 : vector<5000xf32> to vector<5000x1xf32>
    %sub3A = vector.broadcast %broadcast_in_dim3A : vector<5000x1xf32> to vector<5000x128xf32>
    %sub3A_52 = arith.subf %add3A_50, %sub3A : vector<5000x128xf32>
    %exp3A = math.exp %sub3A_52 : vector<5000x128xf32>
    %reduce_sum3A = arith.constant dense<0.000000e+00> : vector<5000xf32>
    %reduce_sum3A_53 = vector.multi_reduction <add>, %exp3A, %reduce_sum3A [1] : vector<5000x128xf32> to vector<5000xf32>
    %broadcast_in_dim3A_54 = vector.shape_cast %reduce_sum3A_53 : vector<5000xf32> to vector<5000x1xf32>
    %sub3A_55 = vector.broadcast %broadcast_in_dim3A : vector<5000x1xf32> to vector<5000x128xf32>
    %sub3A_56 = arith.subf %add3A_50, %sub3A_55 : vector<5000x128xf32>
    %log3A = math.log %broadcast_in_dim3A_54 : vector<5000x1xf32>
    %sub3A_57 = vector.broadcast %log3A : vector<5000x1xf32> to vector<5000x128xf32>
    %sub3A_58 = arith.subf %sub3A_56, %sub3A_57 : vector<5000x128xf32>
    %swap3A = arith.constant 0 : index
    %swap3A_59 = arith.constant 0 : index
    %swap3A_60 = vector.load %arg10[%swap3A, %swap3A_59] : memref<5000x128xf32, #tpu.memory_space<vmem>>, vector<5000x128xf32>
    tpu.vector_store %arg10[%swap3A, %swap3A_59], %sub3A_58 {strides = array<i32>} : memref<5000x128xf32, #tpu.memory_space<vmem>>, vector<5000x128xf32>,
    return
  }
  func.func @transform_0(%arg0: i32) -> (i32, i32, i32) {
    %c0_i32 = arith.constant 0 : i32
    %c0_i32_0 = arith.constant 0 : i32
    %c0_i32_1 = arith.constant 0 : i32
    return %c0_i32, %arg0, %c0_i32_0 : i32, i32, i32
  }
  func.func @transform_1(%arg0: i32) -> (i32, i32) {
    %c0_i32 = arith.constant 0 : i32
    %c0_i32_0 = arith.constant 0 : i32
    %c0_i32_1 = arith.constant 0 : i32
    return %c0_i32, %c0_i32_0 : i32, i32
  }
  func.func @transform_2(%arg0: i32) -> (i32, i32) {
    %c0_i32 = arith.constant 0 : i32
    %c0_i32_0 = arith.constant 0 : i32
    return %arg0, %c0_i32 : i32, i32
  }
  func.func @transform_3(%arg0: i32) -> (i32, i32) {
    %c0_i32 = arith.constant 0 : i32
    %c0_i32_0 = arith.constant 0 : i32
    %c0_i32_1 = arith.constant 0 : i32
    return %c0_i32, %c0_i32_0 : i32, i32
  }
  func.func @transform_4(%arg0: i32) -> (i32, i32) {
    %c0_i32 = arith.constant 0 : i32
    %c0_i32_0 = arith.constant 0 : i32
    %c0_i32_1 = arith.constant 0 : i32
    return %c0_i32, %c0_i32_0 : i32, i32
  }
  func.func @transform_5(%arg0: i32) -> (i32, i32) {
    %c0_i32 = arith.constant 0 : i32
    %c0_i32_0 = arith.constant 0 : i32
    %c0_i32_1 = arith.constant 0 : i32
    return %c0_i32, %c0_i32_0 : i32, i32
  }
  func.func @transform_6(%arg0: i32) -> (i32, i32) {
    %c0_i32 = arith.constant 0 : i32
    %c0_i32_0 = arith.constant 0 : i32
    %c0_i32_1 = arith.constant 0 : i32
    return %c0_i32, %c0_i32_0 : i32, i32
  }
  func.func @transform_7(%arg0: i32) -> (i32, i32) {
    %c0_i32 = arith.constant 0 : i32
    %c0_i32_0 = arith.constant 0 : i32
    %c0_i32_1 = arith.constant 0 : i32
    return %c0_i32, %c0_i32_0 : i32, i32
  }
  func.func @transform_8(%arg0: i32) -> (i32, i32) {
    %c0_i32 = arith.constant 0 : i32
    %c0_i32_0 = arith.constant 0 : i32
    %c0_i32_1 = arith.constant 0 : i32
    return %c0_i32, %c0_i32_0 : i32, i32
  }
  func.func @transform_9(%arg0: i32) -> (i32, i32) {
    %c0_i32 = arith.constant 0 : i32
    %c0_i32_0 = arith.constant 0 : i32
    return %arg0, %c0_i32 : i32, i32
  }
}

module attributes {stable_mosaic.version = 14 : i64} {
  func.func @_mid_body(%arg0: i32, %arg1: memref<2x5000x128xf32, #tpu.memory_space<vmem>>, %arg2: memref<1x128xf32, #tpu.memory_space<vmem>>, %arg3: memref<128x128xf32, #tpu.memory_space<vmem>>, %arg4: memref<5000x128xf32, #tpu.memory_space<vmem>>) attributes {dimension_semantics = [#tpu.dimension_semantics<arbitrary>], iteration_bounds = array<i64: 2>, scalar_prefetch = 0 : i64, scratch_operands = 0 : i64, tpu.core_type = #tpu.core_type<tc>, window_params = [{transform_indices = @transform_0, window_bounds = array<i64: 2, 5000, 128>}, {pipeline_mode = #tpu.pipeline_mode<synchronous>, transform_indices = @transform_1, window_bounds = array<i64: 1, 128>}, {pipeline_mode = #tpu.pipeline_mode<synchronous>, transform_indices = @transform_2, window_bounds = array<i64: 128, 128>}, {transform_indices = @transform_3, window_bounds = array<i64: 5000, 128>}]} {
    %get3A = arith.constant 0 : index
    %get3A_0 = arith.constant 0 : index
    %get3A_1 = arith.constant 0 : index
    %get3A_2 = vector.load %arg1[%get3A, %get3A_0, %get3A_1] : memref<2x5000x128xf32, #tpu.memory_space<vmem>>, vector<1x5000x128xf32>
    %get3A_3 = vector.shape_cast %get3A_2 : vector<1x5000x128xf32> to vector<5000x128xf32>
    %get3A_4 = arith.constant 1 : index
    %get3A_5 = arith.constant 0 : index
    %get3A_6 = arith.constant 0 : index
    %get3A_7 = vector.load %arg1[%get3A_4, %get3A_5, %get3A_6] : memref<2x5000x128xf32, #tpu.memory_space<vmem>>, vector<1x5000x128xf32>
    %get3A_8 = vector.shape_cast %get3A_7 : vector<1x5000x128xf32> to vector<5000x128xf32>
    %add3A = arith.addf %get3A_3, %get3A_8 : vector<5000x128xf32>
    %get3A_9 = arith.constant 0 : index
    %get3A_10 = arith.constant 0 : index
    %get3A_11 = vector.load %arg2[%get3A_9, %get3A_10] : memref<1x128xf32, #tpu.memory_space<vmem>>, vector<1x128xf32>
    %add3A_12 = vector.broadcast %get3A_11 : vector<1x128xf32> to vector<5000x128xf32>
    %add3A_13 = arith.addf %add3A, %add3A_12 : vector<5000x128xf32>
    %max3A = arith.constant 0.000000e+00 : f32
    %max3A_14 = vector.broadcast %max3A : f32 to vector<5000x128xf32>
    %max3A_15 = arith.maximumf %add3A_13, %max3A_14 : vector<5000x128xf32>
    %get3A_16 = arith.constant 0 : index
    %get3A_17 = arith.constant 0 : index
    %get3A_18 = vector.load %arg3[%get3A_16, %get3A_17] : memref<128x128xf32, #tpu.memory_space<vmem>>, vector<128x128xf32>
    %dot_general3A = arith.constant dense<0.000000e+00> : vector<5000x128xf32>
    %dot_general3A_19 = tpu.matmul %max3A_15, %get3A_18, %dot_general3A {dimension_numbers = #tpu.dot_dimension_numbers<[1], [0], [0], [1], [0, 0, 1, 1], [], []>, transpose_lhs_hint = false} : vector<5000x128xf32>, vector<128x128xf32>, vector<5000x128xf32> -> vector<5000x128xf32>
    %swap3A = arith.constant 0 : index
    %swap3A_20 = arith.constant 0 : index
    %swap3A_21 = vector.load %arg4[%swap3A, %swap3A_20] : memref<5000x128xf32, #tpu.memory_space<vmem>>, vector<5000x128xf32>
    tpu.vector_store %arg4[%swap3A, %swap3A_20], %dot_general3A_19 {strides = array<i32>} : memref<5000x128xf32, #tpu.memory_space<vmem>>, vector<5000x128xf32>,
    return
  }
  func.func @transform_0(%arg0: i32) -> (i32, i32, i32) {
    %c0_i32 = arith.constant 0 : i32
    %c0_i32_0 = arith.constant 0 : i32
    %c0_i32_1 = arith.constant 0 : i32
    return %c0_i32, %arg0, %c0_i32_0 : i32, i32, i32
  }
  func.func @transform_1(%arg0: i32) -> (i32, i32) {
    %c0_i32 = arith.constant 0 : i32
    %c0_i32_0 = arith.constant 0 : i32
    %c0_i32_1 = arith.constant 0 : i32
    return %c0_i32, %c0_i32_0 : i32, i32
  }
  func.func @transform_2(%arg0: i32) -> (i32, i32) {
    %c0_i32 = arith.constant 0 : i32
    %c0_i32_0 = arith.constant 0 : i32
    %c0_i32_1 = arith.constant 0 : i32
    return %c0_i32, %c0_i32_0 : i32, i32
  }
  func.func @transform_3(%arg0: i32) -> (i32, i32) {
    %c0_i32 = arith.constant 0 : i32
    %c0_i32_0 = arith.constant 0 : i32
    return %arg0, %c0_i32 : i32, i32
  }
}

module attributes {stable_mosaic.version = 14 : i64} {
  func.func @_pre_body(%arg0: i32, %arg1: memref<5000x128xf32, #tpu.memory_space<vmem>>, %arg2: memref<128x128xf32, #tpu.memory_space<vmem>>, %arg3: memref<5000x128xf32, #tpu.memory_space<vmem>>) attributes {dimension_semantics = [#tpu.dimension_semantics<arbitrary>], iteration_bounds = array<i64: 2>, scalar_prefetch = 0 : i64, scratch_operands = 0 : i64, tpu.core_type = #tpu.core_type<tc>, window_params = [{transform_indices = @transform_0, window_bounds = array<i64: 5000, 128>}, {pipeline_mode = #tpu.pipeline_mode<synchronous>, transform_indices = @transform_1, window_bounds = array<i64: 128, 128>}, {transform_indices = @transform_2, window_bounds = array<i64: 5000, 128>}]} {
    %get3A = arith.constant 0 : index
    %get3A_0 = arith.constant 0 : index
    %get3A_1 = vector.load %arg1[%get3A, %get3A_0] : memref<5000x128xf32, #tpu.memory_space<vmem>>, vector<5000x128xf32>
    %get3A_2 = arith.constant 0 : index
    %get3A_3 = arith.constant 0 : index
    %get3A_4 = vector.load %arg2[%get3A_2, %get3A_3] : memref<128x128xf32, #tpu.memory_space<vmem>>, vector<128x128xf32>
    %dot_general3A = arith.constant dense<0.000000e+00> : vector<5000x128xf32>
    %dot_general3A_5 = tpu.matmul %get3A_1, %get3A_4, %dot_general3A {dimension_numbers = #tpu.dot_dimension_numbers<[1], [0], [0], [1], [0, 0, 1, 1], [], []>, transpose_lhs_hint = false} : vector<5000x128xf32>, vector<128x128xf32>, vector<5000x128xf32> -> vector<5000x128xf32>
    %swap3A = arith.constant 0 : index
    %swap3A_6 = arith.constant 0 : index
    %swap3A_7 = vector.load %arg3[%swap3A, %swap3A_6] : memref<5000x128xf32, #tpu.memory_space<vmem>>, vector<5000x128xf32>
    tpu.vector_store %arg3[%swap3A, %swap3A_6], %dot_general3A_5 {strides = array<i32>} : memref<5000x128xf32, #tpu.memory_space<vmem>>, vector<5000x128xf32>,
    return
  }
  func.func @transform_0(%arg0: i32) -> (i32, i32) {
    %c0_i32 = arith.constant 0 : i32
    %c0_i32_0 = arith.constant 0 : i32
    return %arg0, %c0_i32 : i32, i32
  }
  func.func @transform_1(%arg0: i32) -> (i32, i32) {
    %c0_i32 = arith.constant 0 : i32
    %c0_i32_0 = arith.constant 0 : i32
    %c0_i32_1 = arith.constant 0 : i32
    return %c0_i32, %c0_i32_0 : i32, i32
  }
  func.func @transform_2(%arg0: i32) -> (i32, i32) {
    %c0_i32 = arith.constant 0 : i32
    %c0_i32_0 = arith.constant 0 : i32
    return %arg0, %c0_i32 : i32, i32
  }
}

</mosaic_0001>

<sc_bundles>
// kernel: kernel.10.cloned.1.call-start
scs
__scs_entry_jumppad:
0x0: {  	(pc) =	sbr.rel $0x88, $3  }
0x1: {  	(tag) =	ssettag $0x0;
	lr =	simm.s32 $0x1  }
0x2: {  	[smem:$0x3F94] =	sst lr;
	_ =	strace $0xD0000000  }
0x3: {  	_ = 	snop  }
0x4: {  	_ = 	snop  }
0x5: {  	_ = 	snop  }
0x6: {  	_ = 	snop  }
0x7: {  	_ = 	snop  }
__scs_overlays_trampoline_lowered:
0x8: {  	[smem:$0x3FA3] =	sst s0  }
0x9: {  	[smem:$0x3FA4] =	sst s1  }
0xa: {  	[smem:$0x3FA5] =	sst s2  }
0xb: {  	[smem:$0x3FA6] =	sst s3  }
0xc: {  	[smem:$0x3FA7] =	sst s4  }
0xd: {  	[smem:$0x3FA8] =	sst s5  }
0xe: {  	[smem:$0x3FA9] =	sst s6  }
0xf: {  	[smem:$0x3FAA] =	sst s7  }
0x10: {  	[smem:$0x3FAB] =	sst s8  }
0x11: {  	[smem:$0x3FAC] =	sst s9;
	s0 =	simm.s32 @!p0 $0x0  }
0x12: {  	s1 =	sld [smem:$0x3F92];
	s0 =	simm.s32 @p0 $0x1  }
0x13: {  	[smem:$0x3FAD] =	sst s0;
	s0 =	simm.s32 @!p1 $0x0  }
0x14: {  	s2 =	sld [smem:$0x3F91];
	s0 =	simm.s32 @p1 $0x1  }
0x15: {  	[smem:$0x3FAE] =	sst s0;
	s0 =	simm.s32 @!p2 $0x0  }
0x16: {  	s3 =	sld [smem:$0x3FDB];
	s0 =	simm.s32 @p2 $0x1  }
0x17: {  	s4 =	simm.s32 $0x1BF5;
	[smem:$0x3FB0] =	sst s0  }
0x18: {  	s0 =	sld [smem:$0x3F93];
	_ =	swait.ge [sflag:s4], $0x0  }
0x19: {  	s7 =	sld [smem:$0x3F94]  }
0x1a: {  	s8 =	sadd.s32 $0xFFFFE003, lr  }
0x1b: {  	s9 =	sadd.s32 $0xFFFFFEF7, lr;
	s5 =	simm.s32 $0xFFFFFFFF;
	p2 =	slt.u32 s8, $0xFFFFF086  }
0x1c: {  	p1 =	slt.u32 s9, $0xF7A;
	s5 =	simm.s32 @!p2 $0x0  }
0x1d: {  	s5 =	simm.s32 @p1 $0x1;
	p0 =	seq.s32 s7, s2  }
0x1e: {  	s7 =	smul.u32 @!p0 $0xF7A, s2;
	p2 =	seq.s32 @!p0 s5, $0x0  }
0x1f: {  	s9 =	smul.u32 $0xF7A, s1;
	s8 =	simm.s32 @!p0 $0x1BF5;
	p2 =	por !p2, p0  }
0x20: {  	[sflag:s8] =	ssyncset.s32 @!p0 $0xFFFFF086;
	s6 =	sadd.s32 @!p0 s3, s7;
	s7 =	simm.s32 @!p0 $0x108  }
0x21: {  	s3 =	sadd.s32 s3, s9;
	s6 =	sadd.s32 @!p0 $0x88, s6;
	s7 =	simm.s32 @p2 $0x1082  }
0x22: {  	[simem:s7], [sflag:s8] =	dma.local @!p0 [hbm:s6], $0xF7A  }
0x23: {  	s9 =	sor.u32 $0xD0000000, s2;
	s6 =	simm.s32 $0x108;
	_ =	swait.ge @!p0 [sflag:s8], $0x0  }
0x24: {  	s3 =	sadd.s32 $0x88, s3;
	s6 =	simm.s32 @!p1 $0x1082;
	[sflag:s4] =	ssyncset.s32 $0xFFFFF086  }
0x25: {  	[simem:s6], [sflag:s4] =	dma.local [hbm:s3], $0xF7A  }
0x26: {  	[smem:$0x3F94] =	sst s1;
	(tag) =	ssettag s2;
	_ =	strace s9  }
0x27: {  	s1 =	sld [smem:$0x3FA4]  }
0x28: {  	s2 =	sld [smem:$0x3FA5]  }
0x29: {  	s4 =	sld [smem:$0x3FA7]  }
0x2a: {  	p0 =	seq.s32 s5, $0x0;
	s5 =	sld [smem:$0x3FA8]  }
0x2b: {  	s6 =	sld [smem:$0x3FA9]  }
0x2c: {  	s7 =	sld [smem:$0x3FAA]  }
0x2d: {  	s3 =	simm.s32 $0x108;
	s8 =	sld [smem:$0x3FAB]  }
0x2e: {  	s3 =	simm.s32 @!p0 $0x1082;
	s9 =	sld [smem:$0x3FAC]  }
0x2f: {  	lr =	sadd.s32 s0, s3;
	s0 =	sld [smem:$0x3FA3]  }
0x30: {  	s3 =	sld [smem:$0x3FA6]  }
0x31: {  	[smem:$0x3FAF] =	sst s10  }
0x32: {  	s10 =	sld [smem:$0x3FAD];
	_ =	sdelay $0x3  }
0x33: {  	p0 =	seq.s32 s10, $0x1;
	s10 =	sld [smem:$0x3FAF];
	_ =	sdelay $0x3  }
0x34: {  	[smem:$0x3FAF] =	sst s10  }
0x35: {  	s10 =	sld [smem:$0x3FAE];
	_ =	sdelay $0x3  }
0x36: {  	p1 =	seq.s32 s10, $0x1;
	s10 =	sld [smem:$0x3FAF];
	_ =	sdelay $0x3  }
0x37: {  	[smem:$0x3FAF] =	sst s10  }
0x38: {  	s10 =	sld [smem:$0x3FB0]  }
0x39: {  	_ = 	snop;
	(pc) =	sbr.ind lr, $3  }
0x3a: {  	_ = 	snop  }
0x3b: {  	_ = 	snop  }
0x3c: {  	p2 =	seq.s32 s10, $0x1;
	s10 =	sld [smem:$0x3FAF]  }
0x3d: {  	_ =	shalt  }
0x3e: {  	_ =	shalt  }
0x3f: {  	_ =	shalt  }
0x40: {  	_ =	shalt  }
0x41: {  	_ =	shalt  }
0x42: {  	_ =	shalt  }
0x43: {  	_ =	shalt  }
0x44: {  	_ =	shalt  }
0x45: {  	_ =	shalt  }
0x46: {  	_ =	shalt  }
0x47: {  	_ =	shalt  }
0x48: {  	_ =	shalt  }
0x49: {  	_ =	shalt  }
0x4a: {  	_ =	shalt  }
0x4b: {  	_ =	shalt  }
0x4c: {  	_ =	shalt  }
0x4d: {  	_ =	shalt  }
0x4e: {  	_ =	shalt  }
0x4f: {  	_ =	shalt  }
0x50: {  	_ =	shalt  }
0x51: {  	_ =	shalt  }
0x52: {  	_ =	shalt  }
0x53: {  	_ =	shalt  }
0x54: {  	_ =	shalt  }
0x55: {  	_ =	shalt  }
0x56: {  	_ =	shalt  }
0x57: {  	_ =	shalt  }
0x58: {  	_ =	shalt  }
0x59: {  	_ =	shalt  }
0x5a: {  	_ =	shalt  }
0x5b: {  	_ =	shalt  }
0x5c: {  	_ =	shalt  }
0x5d: {  	_ =	shalt  }
0x5e: {  	_ =	shalt  }
0x5f: {  	_ =	shalt  }
0x60: {  	_ =	shalt  }
0x61: {  	_ =	shalt  }
0x62: {  	_ =	shalt  }
0x63: {  	_ =	shalt  }
0x64: {  	_ =	shalt  }
0x65: {  	_ =	shalt  }
0x66: {  	_ =	shalt  }
0x67: {  	_ =	shalt  }
0x68: {  	_ =	shalt  }
0x69: {  	_ =	shalt  }
0x6a: {  	_ =	shalt  }
0x6b: {  	_ =	shalt  }
0x6c: {  	_ =	shalt  }
0x6d: {  	_ =	shalt  }
0x6e: {  	_ =	shalt  }
0x6f: {  	_ =	shalt  }
0x70: {  	_ =	shalt  }
0x71: {  	_ =	shalt  }
0x72: {  	_ =	shalt  }
0x73: {  	_ =	shalt  }
0x74: {  	_ =	shalt  }
0x75: {  	_ =	shalt  }
0x76: {  	_ =	shalt  }
0x77: {  	_ =	shalt  }
0x78: {  	_ =	shalt  }
0x79: {  	_ =	shalt  }
0x7a: {  	_ =	shalt  }
0x7b: {  	_ =	shalt  }
0x7c: {  	_ =	shalt  }
0x7d: {  	_ =	shalt  }
0x7e: {  	_ =	shalt  }
0x7f: {  	_ =	shalt  }
0x80: {  	_ =	shalt  }
0x81: {  	_ =	shalt  }
0x82: {  	_ =	shalt  }
0x83: {  	_ =	shalt  }
0x84: {  	_ =	shalt  }
0x85: {  	_ =	shalt  }
0x86: {  	_ =	shalt  }
0x87: {  	_ =	shalt  }
.Lfunc_end0:
.L_simem_size_0:
called_computation.1_lowered:
.L_overlay_start_0:
0x88: {  	s2 =	sld [smem:$0x3FD9]  }
0x89: {  	s3 =	sld [smem:$0x3FFE];
	_ =	sdelay $0x1  }
0x8a: {  	s1 =	srdreg.scid  }
0x8b: {  	s0 =	sand.u32 $0x1, s1  }
0x8c: {  	s17 =	sshll.u32 s0, $0xA;
	s2 =	sadd.s32 s3, s2  }
0x8d: {  	s2 =	sadd.s32 s2, s17  }
0x8e: {  	[smem:$0x3FBB] =	sst s2  }
0x8f: {  	_ = 	snop  }
0x90: {  	s2 =	sld [smem:$0x3FC7]  }
0x91: {  	s18 =	sld [smem:$0x3FD0];
	(tm) =	ssettm $0x1  }
0x92: {  	s4 =	sld [smem:$0x3FFB];
	_ =	sdelay $0x3  }
0x93: {  	_ =	strace s4  }
0x94: {  	s4 =	sld [smem:$0x3FFC];
	_ =	sdelay $0x3  }
0x95: {  	_ =	strace s4  }
0x96: {  	s4 =	sld [smem:$0x3FFD];
	_ =	sdelay $0x3  }
0x97: {  	_ =	strace s4  }
0x98: {  	_ =	strace $0x8FFFFFFF  }
0x99: {  	s19 =	sld [smem:$0x3FDB];
	_ =	sdelay $0x1  }
0x9a: {  	s5 =	simm.s32 $_scs_section_size  }
0x9b: {  	s6 =	simm.s32 $_size__tile_overlayer_lowered;
	s7 =	simm.s32 $_tile_overlayer_lowered  }
0x9c: {  	s22 =	simm.s32 $0x1BFF;
	s21 =	sshll.u32 s7, $0x1;
	s4 =	sadd.s32 s5, s19  }
0x9d: {  	s8 =	simm.s32 $0x0;
	s20 =	sshll.u32 s6, $0x1;
	s6 =	sadd.s32 s21, s4  }
0x9e: {  	[timem:s8], [sflag:s22] =	dma.local [hbm:s6], s20  }
0x9f: {  	_ =	swait.ge [sflag:s22], s20  }
0xa0: {  	s5 =	ssub.s32 $0x0, s20;
	[sflag:s22] =	ssyncset.done $0x0  }
0xa1: {  	[sflag:s22] =	ssyncadd.s32 s5;
	_ =	sdelay $0x1  }
0xa2: {  	s23 =	simm.s32 $0x1B8B  }
0xa3: {  	_ =	swait.ge [sflag:s23], $0x1  }
0xa4: {  	[sflag:s23] =	ssyncset.done $0x0  }
0xa5: {  	s25 =	simm.s32 $0x1B8E;
	s24 =	sld [smem:$0x3FFE];
	[sflag:s23] =	ssyncadd.s32 $0xFFFFFFFF  }
0xa6: {  	s26 =	simm.s32 $execute0_lowered;
	[smem:$0x3FD2] =	sst s25  }
0xa7: {  	s6 =	sshll.u32 s26, $0x1;
	_ =	strace $0x80000049;
	[dreg:$0x1] =	wrdreg $0xFFFFFFFF  }
0xa8: {  	s28 =	simm.s32 $_size_execute0_lowered;
	s4 =	sadd.s32 s4, s6;
	[dreg:$0x0] =	wrdreg $0x0  }
0xa9: {  	s6 =	sshll.u32 s28, $0x1;
	[dreg:$0x2] =	wrdreg s4  }
0xaa: {  	[dreg:$0x3] =	wrdreg s6  }
0xab: {  	[dreg:$0x4] =	wrdreg $0xC0  }
0xac: {  	_ =	task [dreg:s8], $0x5FFFF  }
0xad: {  	[dreg:$0x1] =	wrdreg $0xFFFFFFFF  }
0xae: {  	[dreg:$0x0] =	wrdreg $0x60  }
0xaf: {  	[dreg:$0x2] =	wrdreg s18  }
0xb0: {  	[dreg:$0x3] =	wrdreg s2  }
0xb1: {  	[dreg:$0x4] =	wrdreg s24  }
0xb2: {  	[dreg:$0x5] =	wrdreg $0xC3000  }
0xb3: {  	[dreg:$0x6] =	wrdreg $0x9  }
0xb4: {  	_ =	task.clear_ibuf [dreg:s8], $0x7FFFF;
	_ =	strace $0x90000049  }
0xb5: {  	s29 =	simm.s32 $0x9;
	_ =	strace $0x8000004B  }
0xb6: {  	_ =	swait.ge [sflag:s29], $0x1  }
0xb7: {  	[sflag:s29] =	ssyncadd.s32 $0xFFFFFFFF  }
0xb8: {  	_ =	strace $0x9000004B  }
0xb9: {  	_ =	sfence  }
0xba: {  	s30 =	sld [smem:$0x0];
	_ =	sdelay $0x2  }
0xbb: {  	s31 =	sshll.u32 s1, $0xD;
	s1 =	sshrl.u32 s1, $0x2  }
0xbc: {  	s3 =	sand.u32 $0x4000, s31;
	s1 =	sadd.s32 s1, s30  }
0xbd: {  	s0 =	sor.u32 s3, s0;
	s1 =	sshll.u32 s1, $0x11  }
0xbe: {  	s0 =	sor.u32 s1, s0  }
0xbf: {  	s0 =	sadd.s32 $0x8F2B, s0  }
0xc0: {  	[sflag:s0] =	ssyncadd.remote.s32 $0x1  }
0xc1: {  	_ =	sfence.sel $0xFFFF  }
0xc2: {  	[dreg:$0x0] =	wrdreg $0xFFFFFFFF;
	(pc) =	sbr.abs _section_cstart, $3  }
0xc3: {  	[dreg:$0x1] =	wrdreg $0xFFFFFFFF  }
0xc4: {  	_ =	task.clear_ibuf [dreg:s8], $0x2FFFF;
	_ =	strace $0x9FFFFFFF  }
0xc5: {  	(tm) =	ssettm $0x7FFFFFFF  }
tec
execute0_lowered:
.L_overlay_start_1:
0x0: {  	(tag) =	ssettag $0x1  }
0x1: {  	s0 =	rddreg [dreg:$0x0]  }
0x2: {  	s1 =	rddreg [dreg:$0x1]  }
0x3: {  	s2 =	rddreg [dreg:$0x2];
	s4 =	srdreg.scid  }
0x4: {  	s13 =	stileid.u32;
	s3 =	rddreg [dreg:$0x3]  }
0x5: {  	s28 =	simm.s32 $0x4;
	s29 =	simm.s32 $0x3;
	s30 =	simm.s32 $0x8300  }
0x6: {  	s31 =	simm.s32 $0x7;
	s6 =	sand.u32 $0x1, s4;
	s11 =	smul.u32 $0x4E000, s13  }
0x7: {  	s5 =	sshll.u32 s13, $0x1;
	s4 =	simm.s32 $0x0;
	s26 =	smul.u32 $0x13800, s13  }
0x8: {  	s15 =	sadd.s32 $0x138000, s3;
	s18 =	smul.u32 $0x1380, s13;
	p0 =	sne.s32 s13, $0x0  }
0x9: {  	p1 =	sgt.u32 s13, $0x1;
	s7 =	sor.u32 s6, s5;
	[smem:$0x7FF] =	sst s4  }
0xa: {  	s5 =	sadd.s32 $0x2E00, s2;
	s2 =	sadd.s32 $0x5600, s2;
	s25 =	smul.u32 $0x138800, s6  }
0xb: {  	s9 =	ssub.s32 $0x2, s6;
	s20 =	smul.u32 $0x9C0, s6;
	s6 =	simm.s32 $0x8  }
0xc: {  	s8 =	smul.u32 $0x4E, s7;
	_ =	strace $0x8000004A;
	s7 =	smin.u32 s7, $0x4  }
0xd: {  	s10 =	sshrl.u32 s9, $0x1;
	s11 =	sshrl.u32 s11, $0x2;
	[dreg:$0x8] =	wrdreg s15  }
0xe: {  	s9 =	ssub.s32 s9, s10;
	s11 =	sadd.s32 s11, s3;
	s17 =	sadd.s32 s26, s25  }
0xf: {  	s10 =	sshrl.u32 s25, $0x3;
	s24 =	sshll.u32 s7, $0x5;
	s8 =	sadd.s32 s7, s8  }
0x10: {  	[dreg:$0x7] =	wrdreg s11;
	s11 =	sshrl.u32 s17, $0x3;
	s10 =	sadd.s32 s2, s10  }
0x11: {  	s21 =	smax.u32 s9, $0x1;
	s7 =	simm.s32 $0x6;
	s9 =	simm.s32 $0x9  }
0x12: {  	s8 =	sshll.u32 s8, $0x5;
	s2 =	sadd.s32 s2, s11;
	[dreg:$0xc] =	wrdreg s21  }
0x13: {  	s19 =	sadd.s32 $0x27000, s10;
	s8 =	sadd.s32 s1, s8;
	[dreg:$0xa] =	wrdreg s2  }
0x14: {  	s21 =	simm.s32 $0x80;
	[dreg:$0xb] =	wrdreg s19;
	s12 =	sadd.s32 $0x13880, s8  }
0x15: {  	s10 =	simm.s32 $0x0;
	s14 =	sadd.s32 $0x138A0, s8;
	[dreg:$0x5] =	wrdreg s12  }
0x16: {  	s1 =	sadd.s32 s18, s1;
	s16 =	sadd.s32 $0x14240, s8;
	[dreg:$0x6] =	wrdreg s14  }
0x17: {  	s19 =	simm.s32 $0x100;
	s22 =	sadd.s32 $0x138C0, s8;
	[dreg:$0x9] =	wrdreg s16  }
0x18: {  	s2 =	simm.s32 $0x180;
	s23 =	sadd.s32 $0x138E0, s8;
	[dreg:$0xd] =	wrdreg s22  }
0x19: {  	s1 =	sadd.s32 s20, s1;
	s25 =	sadd.s32 $0x13900, s8;
	[dreg:$0xe] =	wrdreg s23  }
0x1a: {  	s26 =	sadd.s32 $0x14220, s8;
	s20 =	simm.s32 $0x1;
	[dreg:$0xf] =	wrdreg s25  }
0x1b: {  	s8 =	simm.s32 $0x280;
	[dreg:$0x10] =	wrdreg s26;
	s18 =	sadd.s32 s24, s1  }
0x1c: {  	s22 =	simm.s32 $0x300;
	s23 =	simm.s32 $0xA;
	s24 =	simm.s32 $0x2  }
0x1d: {  	s25 =	simm.s32 $0x4300;
	s26 =	simm.s32 $0x200;
	s1 =	simm.s32 $0x5  }
.LBB2_1:
0x1e: {  	s11 =	rddreg [dreg:$0x5]  }
0x1f: {  	[tilespmem:s4], [sflag:$0x1] =	stream.linear.gather [hbm4b:s11+s4], $0x100, $0x38;
	[tilespmem:$0x1FB80] =	vst v63  }
0x20: {  	s14 =	rddreg [dreg:$0x6]  }
0x21: {  	[tilespmem:s19], [sflag:$0x2] =	stream.linear.gather [hbm4b:s14+s4], $0x100, $0x38;
	[tilespmem:$0x1FB80] =	vst v63  }
0x22: {  	s15 =	stileid.u32;
	_ =	swait.ge [sflag:s20], $0x100  }
0x23: {  	s11 =	sshll.u32 s15, $0x6;
	[sflag:s20] =	ssyncset.done $0x0;
	s12 =	rddreg [dreg:$0x7]  }
0x24: {  	s11 =	sor.u32 $0x1C0A, s11;
	[sflag:s20] =	ssyncadd.s32 $0xFFFFFF00;
	s12 =	sshrl.u32 s12, $0x3  }
0x25: {  	[tilespmem:s22], [sflag:$0x4] =	stream.indirect.gather [hbm4b:s0+s21], $0x80, s4, s21, $0xb8;
	[tilespmem:$0x1FB80] =	vst v63  }
0x26: {  	[spmem:s12], [sflag:s11] =	dma.local [hbm:s5], $0x2700  }
0x27: {  	_ =	swait.ge [sflag:s23], $0x2700  }
0x28: {  	[sflag:s23] =	ssyncset.done $0x0;
	s13 =	rddreg [dreg:$0x8]  }
0x29: {  	s14 =	simm.s32 @!p0 $0xA;
	[sflag:s23] =	ssyncadd.s32 $0xFFFFD900;
	s13 =	sshrl.u32 @!p0 s13, $0x3  }
0x2a: {  	[spmem:s13], [sflag:s11] =	dma.local @!p0 [hbm:s5], $0x100  }
0x2b: {  	_ =	swait.ge @!p0 [sflag:s14], $0x100  }
0x2c: {  	[sflag:s14] =	ssyncset.done @!p0 $0x0  }
0x2d: {  	[sflag:s14] =	ssyncadd.s32 @!p0 $0xFFFFFF00  }
0x2e: {  	[bflag:$0x0] =	sbarrier.arrive $0xFFFF  }
0x2f: {  	_ =	swait.ge [sflag:s24], $0x100  }
0x30: {  	[sflag:s24] =	ssyncset.done $0x0  }
0x31: {  	[sflag:s24] =	ssyncadd.s32 $0xFFFFFF00  }
0x32: {  	[tilespmem:s25], [sflag:$0x5] =	stream.indirect.gather [hbm4b:s0+s21], $0x80, s19, s21, $0xb8;
	[tilespmem:$0x1FB80] =	vst v63  }
0x33: {  	s16 =	rddreg [dreg:$0xd]  }
0x34: {  	[tilespmem:s26], [sflag:$0x3] =	stream.linear.gather [hbm4b:s16+s4], $0x100, $0x38;
	[tilespmem:$0x1FB80] =	vst v63  }
0x35: {  	_ =	swait.ge [sflag:s28], $0x4000  }
0x36: {  	[sflag:s28] =	ssyncset.done $0x0  }
0x37: {  	[sflag:s28] =	ssyncadd.s32 $0xFFFFC000  }
0x38: {  	[spmem:s3] =	stream.indirect.scatter.add.f32 [tilespmem:s22], [sflag:$0x7], $0x80, s21, s21, $0xb8;
	[tilespmem:$0x1FB80] =	vst v63  }
0x39: {  	_ =	swait.ge [sflag:s29], $0x100  }
0x3a: {  	[sflag:s29] =	ssyncset.done $0x0  }
0x3b: {  	[sflag:s29] =	ssyncadd.s32 $0xFFFFFF00  }
0x3c: {  	[tilespmem:s30], [sflag:$0x6] =	stream.indirect.gather [hbm4b:s0+s21], $0x80, s26, s21, $0xb8;
	[tilespmem:$0x1FB80] =	vst v63  }
0x3d: {  	_ =	swait.ge [sflag:s31], $0x4000  }
0x3e: {  	[sflag:s31] =	ssyncset.done $0x0  }
0x3f: {  	s17 =	rddreg [dreg:$0xe];
	[sflag:s31] =	ssyncadd.s32 $0xFFFFC000  }
0x40: {  	[tilespmem:s4], [sflag:$0x1] =	stream.linear.gather [hbm4b:s17+s4], $0x100, $0x38;
	[tilespmem:$0x1FB80] =	vst v63  }
0x41: {  	_ =	swait.ge [sflag:s1], $0x4000  }
0x42: {  	[sflag:s1] =	ssyncset.done $0x0  }
0x43: {  	[sflag:s1] =	ssyncadd.s32 $0xFFFFC000  }
0x44: {  	[spmem:s3] =	stream.indirect.scatter.add.f32 [tilespmem:s25], [sflag:$0x8], $0x80, s2, s21, $0xb8;
	[tilespmem:$0x1FB80] =	vst v63  }
0x45: {  	_ =	swait.ge [sflag:s20], $0x100  }
0x46: {  	[sflag:s20] =	ssyncset.done $0x0  }
0x47: {  	[sflag:s20] =	ssyncadd.s32 $0xFFFFFF00  }
0x48: {  	[tilespmem:s22], [sflag:$0x4] =	stream.indirect.gather [hbm4b:s0+s21], $0x80, s4, s21, $0xb8;
	[tilespmem:$0x1FB80] =	vst v63  }
0x49: {  	_ =	swait.ge [sflag:s6], $0x4000  }
0x4a: {  	[sflag:s6] =	ssyncset.done $0x0  }
0x4b: {  	s15 =	rddreg [dreg:$0xf];
	[sflag:s6] =	ssyncadd.s32 $0xFFFFC000  }
0x4c: {  	[tilespmem:s19], [sflag:$0x2] =	stream.linear.gather [hbm4b:s15+s4], $0x100, $0x38;
	[tilespmem:$0x1FB80] =	vst v63  }
0x4d: {  	_ =	swait.ge [sflag:s7], $0x4000  }
0x4e: {  	[sflag:s7] =	ssyncset.done $0x0  }
0x4f: {  	[sflag:s7] =	ssyncadd.s32 $0xFFFFC000  }
0x50: {  	[spmem:s3] =	stream.indirect.scatter.add.f32 [tilespmem:s30], [sflag:$0x9], $0x80, s8, s21, $0xb8;
	[tilespmem:$0x1FB80] =	vst v63  }
0x51: {  	_ =	swait.ge [sflag:s24], $0x100  }
0x52: {  	[sflag:s24] =	ssyncset.done $0x0  }
0x53: {  	[sflag:s24] =	ssyncadd.s32 $0xFFFFFF00  }
0x54: {  	[tilespmem:s25], [sflag:$0x5] =	stream.indirect.gather [hbm4b:s0+s21], $0x80, s19, s21, $0xb8;
	[tilespmem:$0x1FB80] =	vst v63  }
0x55: {  	_ =	swait.ge [sflag:s9], $0x4000  }
0x56: {  	s16 =	sadd.s32 $0x0, s18;
	[sflag:s9] =	ssyncset.done $0x0  }
0x57: {  	s15 =	sadd.s32 $0x13920, s16;
	[sflag:s9] =	ssyncadd.s32 $0xFFFFC000  }
0x58: {  	[tilespmem:s26], [sflag:$0x3] =	stream.linear.gather [hbm4b:s15+s4], $0x100, $0x38;
	[tilespmem:$0x1FB80] =	vst v63  }
0x59: {  	_ =	swait.ge [sflag:s28], $0x4000  }
0x5a: {  	[sflag:s28] =	ssyncset.done $0x0  }
0x5b: {  	[sflag:s28] =	ssyncadd.s32 $0xFFFFC000  }
0x5c: {  	[spmem:s3] =	stream.indirect.scatter.add.f32 [tilespmem:s22], [sflag:$0x7], $0x80, s21, s21, $0xb8;
	[tilespmem:$0x1FB80] =	vst v63  }
0x5d: {  	_ =	swait.ge [sflag:s29], $0x100  }
0x5e: {  	[sflag:s29] =	ssyncset.done $0x0  }
0x5f: {  	[sflag:s29] =	ssyncadd.s32 $0xFFFFFF00  }
0x60: {  	[tilespmem:s30], [sflag:$0x6] =	stream.indirect.gather [hbm4b:s0+s21], $0x80, s26, s21, $0xb8;
	[tilespmem:$0x1FB80] =	vst v63  }
0x61: {  	_ =	swait.ge [sflag:s31], $0x4000  }
0x62: {  	[sflag:s31] =	ssyncset.done $0x0  }
0x63: {  	s17 =	sadd.s32 $0x13940, s16;
	[sflag:s31] =	ssyncadd.s32 $0xFFFFC000  }
0x64: {  	[tilespmem:s4], [sflag:$0x1] =	stream.linear.gather [hbm4b:s17+s4], $0x100, $0x38;
	[tilespmem:$0x1FB80] =	vst v63  }
0x65: {  	_ =	swait.ge [sflag:s1], $0x4000  }
0x66: {  	[sflag:s1] =	ssyncset.done $0x0  }
0x67: {  	[sflag:s1] =	ssyncadd.s32 $0xFFFFC000  }
0x68: {  	[spmem:s3] =	stream.indirect.scatter.add.f32 [tilespmem:s25], [sflag:$0x8], $0x80, s2, s21, $0xb8;
	[tilespmem:$0x1FB80] =	vst v63  }
0x69: {  	_ =	swait.ge [sflag:s20], $0x100  }
0x6a: {  	[sflag:s20] =	ssyncset.done $0x0  }
0x6b: {  	[sflag:s20] =	ssyncadd.s32 $0xFFFFFF00  }
0x6c: {  	[tilespmem:s22], [sflag:$0x4] =	stream.indirect.gather [hbm4b:s0+s21], $0x80, s4, s21, $0xb8;
	[tilespmem:$0x1FB80] =	vst v63  }
0x6d: {  	_ =	swait.ge [sflag:s6], $0x4000  }
0x6e: {  	[sflag:s6] =	ssyncset.done $0x0  }
0x6f: {  	s14 =	sadd.s32 $0x13960, s16;
	[sflag:s6] =	ssyncadd.s32 $0xFFFFC000  }
0x70: {  	[tilespmem:s19], [sflag:$0x2] =	stream.linear.gather [hbm4b:s14+s4], $0x100, $0x38;
	[tilespmem:$0x1FB80] =	vst v63  }
0x71: {  	_ =	swait.ge [sflag:s7], $0x4000  }
0x72: {  	[sflag:s7] =	ssyncset.done $0x0  }
0x73: {  	s14 =	simm.s32 $0x60;
	[sflag:s7] =	ssyncadd.s32 $0xFFFFC000  }
.LBB2_2:
0x74: {  	[spmem:s3] =	stream.indirect.scatter.add.f32 [tilespmem:s30], [sflag:$0x9], $0x80, s8, s21, $0xb8;
	[tilespmem:$0x1FB80] =	vst v63  }
0x75: {  	s15 =	smov.u32 s14  }
0x76: {  	p2 =	sne.s32 s14, $0x8A0;
	s14 =	sadd.s32 $0x60, s14;
	_ =	swait.ge [sflag:s24], $0x100  }
0x77: {  	[sflag:s24] =	ssyncset.done $0x0  }
0x78: {  	[sflag:s24] =	ssyncadd.s32 $0xFFFFFF00  }
0x79: {  	[tilespmem:s25], [sflag:$0x5] =	stream.indirect.gather [hbm4b:s0+s21], $0x80, s19, s21, $0xb8;
	[tilespmem:$0x1FB80] =	vst v63  }
0x7a: {  	_ =	swait.ge [sflag:s9], $0x4000  }
0x7b: {  	s15 =	sadd.s32 s15, s18;
	[sflag:s9] =	ssyncset.done $0x0  }
0x7c: {  	s16 =	sadd.s32 $0x13920, s15;
	[sflag:s9] =	ssyncadd.s32 $0xFFFFC000  }
0x7d: {  	[tilespmem:s26], [sflag:$0x3] =	stream.linear.gather [hbm4b:s16+s4], $0x100, $0x38;
	[tilespmem:$0x1FB80] =	vst v63  }
0x7e: {  	_ =	swait.ge [sflag:s28], $0x4000  }
0x7f: {  	[sflag:s28] =	ssyncset.done $0x0  }
0x80: {  	[sflag:s28] =	ssyncadd.s32 $0xFFFFC000  }
0x81: {  	[spmem:s3] =	stream.indirect.scatter.add.f32 [tilespmem:s22], [sflag:$0x7], $0x80, s21, s21, $0xb8;
	[tilespmem:$0x1FB80] =	vst v63  }
0x82: {  	_ =	swait.ge [sflag:s29], $0x100  }
0x83: {  	[sflag:s29] =	ssyncset.done $0x0  }
0x84: {  	[sflag:s29] =	ssyncadd.s32 $0xFFFFFF00  }
0x85: {  	[tilespmem:s30], [sflag:$0x6] =	stream.indirect.gather [hbm4b:s0+s21], $0x80, s26, s21, $0xb8;
	[tilespmem:$0x1FB80] =	vst v63  }
0x86: {  	_ =	swait.ge [sflag:s31], $0x4000  }
0x87: {  	[sflag:s31] =	ssyncset.done $0x0  }
0x88: {  	s16 =	sadd.s32 $0x13940, s15;
	[sflag:s31] =	ssyncadd.s32 $0xFFFFC000  }
0x89: {  	[tilespmem:s4], [sflag:$0x1] =	stream.linear.gather [hbm4b:s16+s4], $0x100, $0x38;
	[tilespmem:$0x1FB80] =	vst v63  }
0x8a: {  	_ =	swait.ge [sflag:s1], $0x4000  }
0x8b: {  	[sflag:s1] =	ssyncset.done $0x0  }
0x8c: {  	[sflag:s1] =	ssyncadd.s32 $0xFFFFC000  }
0x8d: {  	[spmem:s3] =	stream.indirect.scatter.add.f32 [tilespmem:s25], [sflag:$0x8], $0x80, s2, s21, $0xb8;
	[tilespmem:$0x1FB80] =	vst v63  }
0x8e: {  	_ =	swait.ge [sflag:s20], $0x100  }
0x8f: {  	[sflag:s20] =	ssyncset.done $0x0  }
0x90: {  	[sflag:s20] =	ssyncadd.s32 $0xFFFFFF00  }
0x91: {  	[tilespmem:s22], [sflag:$0x4] =	stream.indirect.gather [hbm4b:s0+s21], $0x80, s4, s21, $0xb8;
	[tilespmem:$0x1FB80] =	vst v63  }
0x92: {  	_ =	swait.ge [sflag:s6], $0x4000  }
0x93: {  	[sflag:s6] =	ssyncset.done $0x0  }
.Ltmp0:
0x94: {  	s15 =	sadd.s32 $0x13960, s15;
	[sflag:s6] =	ssyncadd.s32 $0xFFFFC000;
	(pc) =	sbr.rel @p2 .LBB2_2-.Ltmp0, $4  }
0x95: {  	[tilespmem:s19], [sflag:$0x2] =	stream.linear.gather [hbm4b:s15+s4], $0x100, $0x38;
	[tilespmem:$0x1FB80] =	vst v63  }
0x96: {  	_ =	swait.ge [sflag:s7], $0x4000  }
0x97: {  	[sflag:s7] =	ssyncset.done $0x0  }
0x98: {  	[sflag:s7] =	ssyncadd.s32 $0xFFFFC000  }
0x99: {  	[spmem:s3] =	stream.indirect.scatter.add.f32 [tilespmem:s30], [sflag:$0x9], $0x80, s8, s21, $0xb8;
	[tilespmem:$0x1FB80] =	vst v63  }
0x9a: {  	_ =	swait.ge [sflag:s24], $0x100  }
0x9b: {  	[sflag:s24] =	ssyncset.done $0x0  }
0x9c: {  	[sflag:s24] =	ssyncadd.s32 $0xFFFFFF00  }
0x9d: {  	[tilespmem:s25], [sflag:$0x5] =	stream.indirect.gather [hbm4b:s0+s21], $0x80, s19, s21, $0xb8;
	[tilespmem:$0x1FB80] =	vst v63  }
0x9e: {  	_ =	swait.ge [sflag:s9], $0x4000  }
0x9f: {  	[sflag:s9] =	ssyncset.done $0x0  }
0xa0: {  	s14 =	rddreg [dreg:$0x10];
	[sflag:s9] =	ssyncadd.s32 $0xFFFFC000  }
0xa1: {  	[tilespmem:s26], [sflag:$0x3] =	stream.linear.gather [hbm4b:s14+s4], $0x100, $0x38;
	[tilespmem:$0x1FB80] =	vst v63  }
0xa2: {  	_ =	swait.ge [sflag:s28], $0x4000  }
0xa3: {  	[sflag:s28] =	ssyncset.done $0x0  }
0xa4: {  	[sflag:s28] =	ssyncadd.s32 $0xFFFFC000  }
0xa5: {  	[spmem:s3] =	stream.indirect.scatter.add.f32 [tilespmem:s22], [sflag:$0x7], $0x80, s21, s21, $0xb8;
	[tilespmem:$0x1FB80] =	vst v63  }
0xa6: {  	_ =	swait.ge [sflag:s29], $0x100  }
0xa7: {  	[sflag:s29] =	ssyncset.done $0x0  }
0xa8: {  	[sflag:s29] =	ssyncadd.s32 $0xFFFFFF00  }
0xa9: {  	[tilespmem:s30], [sflag:$0x6] =	stream.indirect.gather [hbm4b:s0+s21], $0x80, s26, s21, $0xb8;
	[tilespmem:$0x1FB80] =	vst v63  }
0xaa: {  	_ =	swait.ge [sflag:s31], $0x4000  }
0xab: {  	[sflag:s31] =	ssyncset.done $0x0  }
0xac: {  	[sflag:s31] =	ssyncadd.s32 $0xFFFFC000  }
0xad: {  	_ =	swait.ge [sflag:s1], $0x4000  }
0xae: {  	[sflag:s1] =	ssyncset.done $0x0  }
0xaf: {  	[sflag:s1] =	ssyncadd.s32 $0xFFFFC000  }
0xb0: {  	[spmem:s3] =	stream.indirect.scatter.add.f32 [tilespmem:s25], [sflag:$0x8], $0x80, s2, s21, $0xb8;
	[tilespmem:$0x1FB80] =	vst v63  }
0xb1: {  	_ =	swait.ge [sflag:s6], $0x4000  }
0xb2: {  	[sflag:s6] =	ssyncset.done $0x0  }
0xb3: {  	[sflag:s6] =	ssyncadd.s32 $0xFFFFC000  }
0xb4: {  	_ =	swait.ge [sflag:s7], $0x4000  }
0xb5: {  	[sflag:s7] =	ssyncset.done $0x0  }
0xb6: {  	[sflag:s7] =	ssyncadd.s32 $0xFFFFC000  }
0xb7: {  	[spmem:s3] =	stream.indirect.scatter.add.f32 [tilespmem:s30], [sflag:$0x9], $0x80, s8, s21, $0xb8;
	[tilespmem:$0x1FB80] =	vst v63  }
0xb8: {  	_ =	swait.ge [sflag:s9], $0x4000  }
0xb9: {  	[sflag:s9] =	ssyncset.done $0x0  }
0xba: {  	s14 =	simm.s32 @!p1 $0x0;
	s15 =	rddreg [dreg:$0x9];
	[sflag:s9] =	ssyncadd.s32 $0xFFFFC000  }
0xbb: {  	[tilespmem:s14], [sflag:$0xA] =	stream.linear.gather @!p1 [hbm4b:s15+s14], $0x100, $0x38;
	[tilespmem:$0x1FB80] =	vst v63  }
0xbc: {  	s15 =	simm.s32 @!p1 $0xA  }
0xbd: {  	_ =	swait.ge @!p1 [sflag:s15], $0x100  }
0xbe: {  	[sflag:s15] =	ssyncset.done @!p1 $0x0  }
0xbf: {  	s16 =	simm.s32 @!p1 $0x80;
	s17 =	simm.s32 @!p1 $0x300;
	[sflag:s15] =	ssyncadd.s32 @!p1 $0xFFFFFF00  }
0xc0: {  	[tilespmem:s17], [sflag:$0x4] =	stream.indirect.gather @!p1 [hbm4b:s0+s16], $0x80, s14, s16, $0xb8;
	[tilespmem:$0x1FB80] =	vst v63  }
0xc1: {  	s14 =	simm.s32 @!p1 $0x4  }
0xc2: {  	_ =	swait.ge @!p1 [sflag:s14], $0x4000  }
0xc3: {  	[sflag:s14] =	ssyncset.done @!p1 $0x0  }
0xc4: {  	[sflag:s14] =	ssyncadd.s32 @!p1 $0xFFFFC000  }
0xc5: {  	[spmem:s3] =	stream.indirect.scatter.add.f32 @!p1 [tilespmem:s17], [sflag:$0xA], $0x80, s16, s16, $0xb8;
	[tilespmem:$0x1FB80] =	vst v63  }
0xc6: {  	_ =	swait.ge @!p1 [sflag:s15], $0x4000  }
0xc7: {  	[sflag:s15] =	ssyncset.done @!p1 $0x0  }
0xc8: {  	[sflag:s15] =	ssyncadd.s32 @!p1 $0xFFFFC000  }
0xc9: {  	[bflag:$0x0] =	sbarrier.arrive $0xFFFF  }
0xca: {  	s16 =	rddreg [dreg:$0xa]  }
0xcb: {  	[hbm:s16], [sflag:s11] =	dma.local [spmem:s12], $0x2700  }
0xcc: {  	_ =	swait.ge [sflag:s23], $0x2700  }
0xcd: {  	[sflag:s23] =	ssyncset.done $0x0  }
0xce: {  	s12 =	rddreg [dreg:$0xb];
	[sflag:s23] =	ssyncadd.s32 $0xFFFFD900  }
0xcf: {  	[hbm:s12], [sflag:s11] =	dma.local @!p0 [spmem:s13], $0x100  }
0xd0: {  	s11 =	simm.s32 @!p0 $0xA  }
0xd1: {  	_ =	swait.ge @!p0 [sflag:s11], $0x100  }
0xd2: {  	s10 =	sadd.s32 $0x1, s10;
	s17 =	rddreg [dreg:$0xc]  }
0xd3: {  	p2 =	sne.s32 s10, s17  }
.Ltmp1:
0xd4: {  	_ = 	snop;
	(pc) =	sbr.rel @p2 .LBB2_1-.Ltmp1, $3  }
0xd5: {  	_ =	sdelay $0x1  }
0xd6: {  	[sflag:s11] =	ssyncset.done @!p0 $0x0  }
0xd7: {  	[sflag:s11] =	ssyncadd.s32 @!p0 $0xFFFFFF00  }
0xd8: {  	_ =	sfence.sel $0x180000  }
0xd9: {  	[bflag:$0x0] =	sbarrier.arrive $0xFFFF  }
0xda: {  	_ =	strace $0x9000004A  }
0xdb: {  	[bflag:$0x2] =	sbarrier.arrive $0xFFFF  }
0xdc: {  	s0 =	rddreg [dreg:$0x4]  }
0xdd: {  	s0 =	sadd.s32 @!p0 $0x100000, s0  }
0xde: {  	[sflag:s0] =	ssyncadd.tile.s32 @!p0 $0x1;
	_ =	shalt  }
.Lfunc_end2:
_tile_overlayer_lowered:
.L_overlay_start_2:
0xdf: {  	(tag) =	ssettag $0x2  }
0xe0: {  	s0 =	rddreg [dreg:$0x0];
	s2 =	stileid.u32  }
0xe1: {  	s1 =	rddreg [dreg:$0x1];
	p0 =	sne.s32 s2, $0x0  }
0xe2: {  	s3 =	rddreg [dreg:$0x2];
	[bflag:$0x3] =	sbarrier.arrive $0xFFFF;
	s2 =	simm.s32 @!p0 $0x1C0A  }
0xe3: {  	[timem:s3], [sflag:s2] =	dma.local @!p0 [hbm:s0], s1  }
0xe4: {  	s0 =	simm.s32 @!p0 $0xA  }
0xe5: {  	_ =	swait.ge @!p0 [sflag:s0], s1  }
0xe6: {  	s1 =	ssub.s32 @!p0 $0x0, s1;
	[sflag:s0] =	ssyncset.done @!p0 $0x0  }
0xe7: {  	[sflag:s0] =	ssyncadd.s32 @!p0 s1  }
0xe8: {  	[bflag:$0x3] =	sbarrier.arrive $0xFFFF  }
0xe9: {  	_ =	shalt  }

// kernel: kernel.7.cloned.1.call-start
scs
__scs_entry_jumppad:
0x0: {  	(pc) =	sbr.rel $0x88, $3  }
0x1: {  	(tag) =	ssettag $0x0;
	lr =	simm.s32 $0x1  }
0x2: {  	[smem:$0x3F94] =	sst lr;
	_ =	strace $0xD0000000  }
0x3: {  	_ = 	snop  }
0x4: {  	_ = 	snop  }
0x5: {  	_ = 	snop  }
0x6: {  	_ = 	snop  }
0x7: {  	_ = 	snop  }
__scs_overlays_trampoline_lowered:
0x8: {  	[smem:$0x3FA3] =	sst s0  }
0x9: {  	[smem:$0x3FA4] =	sst s1  }
0xa: {  	[smem:$0x3FA5] =	sst s2  }
0xb: {  	[smem:$0x3FA6] =	sst s3  }
0xc: {  	[smem:$0x3FA7] =	sst s4  }
0xd: {  	[smem:$0x3FA8] =	sst s5  }
0xe: {  	[smem:$0x3FA9] =	sst s6  }
0xf: {  	[smem:$0x3FAA] =	sst s7  }
0x10: {  	[smem:$0x3FAB] =	sst s8  }
0x11: {  	[smem:$0x3FAC] =	sst s9;
	s0 =	simm.s32 @!p0 $0x0  }
0x12: {  	s1 =	sld [smem:$0x3F92];
	s0 =	simm.s32 @p0 $0x1  }
0x13: {  	[smem:$0x3FAD] =	sst s0;
	s0 =	simm.s32 @!p1 $0x0  }
0x14: {  	s2 =	sld [smem:$0x3F91];
	s0 =	simm.s32 @p1 $0x1  }
0x15: {  	[smem:$0x3FAE] =	sst s0;
	s0 =	simm.s32 @!p2 $0x0  }
0x16: {  	s3 =	sld [smem:$0x3FDB];
	s0 =	simm.s32 @p2 $0x1  }
0x17: {  	s4 =	simm.s32 $0x1BF5;
	[smem:$0x3FB0] =	sst s0  }
0x18: {  	s0 =	sld [smem:$0x3F93];
	_ =	swait.ge [sflag:s4], $0x0  }
0x19: {  	s7 =	sld [smem:$0x3F94]  }
0x1a: {  	s8 =	sadd.s32 $0xFFFFE003, lr  }
0x1b: {  	s9 =	sadd.s32 $0xFFFFFEF7, lr;
	s5 =	simm.s32 $0xFFFFFFFF;
	p2 =	slt.u32 s8, $0xFFFFF086  }
0x1c: {  	p1 =	slt.u32 s9, $0xF7A;
	s5 =	simm.s32 @!p2 $0x0  }
0x1d: {  	s5 =	simm.s32 @p1 $0x1;
	p0 =	seq.s32 s7, s2  }
0x1e: {  	s7 =	smul.u32 @!p0 $0xF7A, s2;
	p2 =	seq.s32 @!p0 s5, $0x0  }
0x1f: {  	s9 =	smul.u32 $0xF7A, s1;
	s8 =	simm.s32 @!p0 $0x1BF5;
	p2 =	por !p2, p0  }
0x20: {  	[sflag:s8] =	ssyncset.s32 @!p0 $0xFFFFF086;
	s6 =	sadd.s32 @!p0 s3, s7;
	s7 =	simm.s32 @!p0 $0x108  }
0x21: {  	s3 =	sadd.s32 s3, s9;
	s6 =	sadd.s32 @!p0 $0x88, s6;
	s7 =	simm.s32 @p2 $0x1082  }
0x22: {  	[simem:s7], [sflag:s8] =	dma.local @!p0 [hbm:s6], $0xF7A  }
0x23: {  	s9 =	sor.u32 $0xD0000000, s2;
	s6 =	simm.s32 $0x108;
	_ =	swait.ge @!p0 [sflag:s8], $0x0  }
0x24: {  	s3 =	sadd.s32 $0x88, s3;
	s6 =	simm.s32 @!p1 $0x1082;
	[sflag:s4] =	ssyncset.s32 $0xFFFFF086  }
0x25: {  	[simem:s6], [sflag:s4] =	dma.local [hbm:s3], $0xF7A  }
0x26: {  	[smem:$0x3F94] =	sst s1;
	(tag) =	ssettag s2;
	_ =	strace s9  }
0x27: {  	s1 =	sld [smem:$0x3FA4]  }
0x28: {  	s2 =	sld [smem:$0x3FA5]  }
0x29: {  	s4 =	sld [smem:$0x3FA7]  }
0x2a: {  	p0 =	seq.s32 s5, $0x0;
	s5 =	sld [smem:$0x3FA8]  }
0x2b: {  	s6 =	sld [smem:$0x3FA9]  }
0x2c: {  	s7 =	sld [smem:$0x3FAA]  }
0x2d: {  	s3 =	simm.s32 $0x108;
	s8 =	sld [smem:$0x3FAB]  }
0x2e: {  	s3 =	simm.s32 @!p0 $0x1082;
	s9 =	sld [smem:$0x3FAC]  }
0x2f: {  	lr =	sadd.s32 s0, s3;
	s0 =	sld [smem:$0x3FA3]  }
0x30: {  	s3 =	sld [smem:$0x3FA6]  }
0x31: {  	[smem:$0x3FAF] =	sst s10  }
0x32: {  	s10 =	sld [smem:$0x3FAD];
	_ =	sdelay $0x3  }
0x33: {  	p0 =	seq.s32 s10, $0x1;
	s10 =	sld [smem:$0x3FAF];
	_ =	sdelay $0x3  }
0x34: {  	[smem:$0x3FAF] =	sst s10  }
0x35: {  	s10 =	sld [smem:$0x3FAE];
	_ =	sdelay $0x3  }
0x36: {  	p1 =	seq.s32 s10, $0x1;
	s10 =	sld [smem:$0x3FAF];
	_ =	sdelay $0x3  }
0x37: {  	[smem:$0x3FAF] =	sst s10  }
0x38: {  	s10 =	sld [smem:$0x3FB0]  }
0x39: {  	_ = 	snop;
	(pc) =	sbr.ind lr, $3  }
0x3a: {  	_ = 	snop  }
0x3b: {  	_ = 	snop  }
0x3c: {  	p2 =	seq.s32 s10, $0x1;
	s10 =	sld [smem:$0x3FAF]  }
0x3d: {  	_ =	shalt  }
0x3e: {  	_ =	shalt  }
0x3f: {  	_ =	shalt  }
0x40: {  	_ =	shalt  }
0x41: {  	_ =	shalt  }
0x42: {  	_ =	shalt  }
0x43: {  	_ =	shalt  }
0x44: {  	_ =	shalt  }
0x45: {  	_ =	shalt  }
0x46: {  	_ =	shalt  }
0x47: {  	_ =	shalt  }
0x48: {  	_ =	shalt  }
0x49: {  	_ =	shalt  }
0x4a: {  	_ =	shalt  }
0x4b: {  	_ =	shalt  }
0x4c: {  	_ =	shalt  }
0x4d: {  	_ =	shalt  }
0x4e: {  	_ =	shalt  }
0x4f: {  	_ =	shalt  }
0x50: {  	_ =	shalt  }
0x51: {  	_ =	shalt  }
0x52: {  	_ =	shalt  }
0x53: {  	_ =	shalt  }
0x54: {  	_ =	shalt  }
0x55: {  	_ =	shalt  }
0x56: {  	_ =	shalt  }
0x57: {  	_ =	shalt  }
0x58: {  	_ =	shalt  }
0x59: {  	_ =	shalt  }
0x5a: {  	_ =	shalt  }
0x5b: {  	_ =	shalt  }
0x5c: {  	_ =	shalt  }
0x5d: {  	_ =	shalt  }
0x5e: {  	_ =	shalt  }
0x5f: {  	_ =	shalt  }
0x60: {  	_ =	shalt  }
0x61: {  	_ =	shalt  }
0x62: {  	_ =	shalt  }
0x63: {  	_ =	shalt  }
0x64: {  	_ =	shalt  }
0x65: {  	_ =	shalt  }
0x66: {  	_ =	shalt  }
0x67: {  	_ =	shalt  }
0x68: {  	_ =	shalt  }
0x69: {  	_ =	shalt  }
0x6a: {  	_ =	shalt  }
0x6b: {  	_ =	shalt  }
0x6c: {  	_ =	shalt  }
0x6d: {  	_ =	shalt  }
0x6e: {  	_ =	shalt  }
0x6f: {  	_ =	shalt  }
0x70: {  	_ =	shalt  }
0x71: {  	_ =	shalt  }
0x72: {  	_ =	shalt  }
0x73: {  	_ =	shalt  }
0x74: {  	_ =	shalt  }
0x75: {  	_ =	shalt  }
0x76: {  	_ =	shalt  }
0x77: {  	_ =	shalt  }
0x78: {  	_ =	shalt  }
0x79: {  	_ =	shalt  }
0x7a: {  	_ =	shalt  }
0x7b: {  	_ =	shalt  }
0x7c: {  	_ =	shalt  }
0x7d: {  	_ =	shalt  }
0x7e: {  	_ =	shalt  }
0x7f: {  	_ =	shalt  }
0x80: {  	_ =	shalt  }
0x81: {  	_ =	shalt  }
0x82: {  	_ =	shalt  }
0x83: {  	_ =	shalt  }
0x84: {  	_ =	shalt  }
0x85: {  	_ =	shalt  }
0x86: {  	_ =	shalt  }
0x87: {  	_ =	shalt  }
.Lfunc_end0:
.L_simem_size_0:
called_computation_lowered:
.L_overlay_start_0:
0x88: {  	s2 =	sld [smem:$0x3FD9]  }
0x89: {  	s3 =	sld [smem:$0x3FFE];
	_ =	sdelay $0x1  }
0x8a: {  	s1 =	srdreg.scid  }
0x8b: {  	s0 =	sand.u32 $0x1, s1  }
0x8c: {  	s17 =	sshll.u32 s0, $0xA;
	s2 =	sadd.s32 s3, s2  }
0x8d: {  	s2 =	sadd.s32 s2, s17  }
0x8e: {  	[smem:$0x3FBB] =	sst s2  }
0x8f: {  	_ = 	snop  }
0x90: {  	s2 =	sld [smem:$0x3FC7]  }
0x91: {  	s18 =	sld [smem:$0x3FD0];
	(tm) =	ssettm $0x1  }
0x92: {  	s4 =	sld [smem:$0x3FFB];
	_ =	sdelay $0x3  }
0x93: {  	_ =	strace s4  }
0x94: {  	s4 =	sld [smem:$0x3FFC];
	_ =	sdelay $0x3  }
0x95: {  	_ =	strace s4  }
0x96: {  	s4 =	sld [smem:$0x3FFD];
	_ =	sdelay $0x3  }
0x97: {  	_ =	strace s4  }
0x98: {  	_ =	strace $0x8FFFFFFF  }
0x99: {  	s19 =	sld [smem:$0x3FDB];
	_ =	sdelay $0x1  }
0x9a: {  	s5 =	simm.s32 $_scs_section_size  }
0x9b: {  	s6 =	simm.s32 $_size__tile_overlayer_lowered;
	s7 =	simm.s32 $_tile_overlayer_lowered  }
0x9c: {  	s22 =	simm.s32 $0x1BFF;
	s21 =	sshll.u32 s7, $0x1;
	s4 =	sadd.s32 s5, s19  }
0x9d: {  	s8 =	simm.s32 $0x0;
	s20 =	sshll.u32 s6, $0x1;
	s6 =	sadd.s32 s21, s4  }
0x9e: {  	[timem:s8], [sflag:s22] =	dma.local [hbm:s6], s20  }
0x9f: {  	_ =	swait.ge [sflag:s22], s20  }
0xa0: {  	s5 =	ssub.s32 $0x0, s20;
	[sflag:s22] =	ssyncset.done $0x0  }
0xa1: {  	[sflag:s22] =	ssyncadd.s32 s5;
	_ =	sdelay $0x1  }
0xa2: {  	s23 =	simm.s32 $0x1B8B  }
0xa3: {  	_ =	swait.ge [sflag:s23], $0x1  }
0xa4: {  	[sflag:s23] =	ssyncset.done $0x0  }
0xa5: {  	s25 =	simm.s32 $0x1B8E;
	s24 =	sld [smem:$0x3FFE];
	[sflag:s23] =	ssyncadd.s32 $0xFFFFFFFF  }
0xa6: {  	s26 =	simm.s32 $execute0_lowered;
	[smem:$0x3FD2] =	sst s25  }
0xa7: {  	s6 =	sshll.u32 s26, $0x1;
	_ =	strace $0x80000046;
	[dreg:$0x1] =	wrdreg $0xFFFFFFFF  }
0xa8: {  	s28 =	simm.s32 $_size_execute0_lowered;
	s4 =	sadd.s32 s4, s6;
	[dreg:$0x0] =	wrdreg $0x0  }
0xa9: {  	s6 =	sshll.u32 s28, $0x1;
	[dreg:$0x2] =	wrdreg s4  }
0xaa: {  	[dreg:$0x3] =	wrdreg s6  }
0xab: {  	[dreg:$0x4] =	wrdreg $0xC0  }
0xac: {  	_ =	task [dreg:s8], $0x5FFFF  }
0xad: {  	[dreg:$0x1] =	wrdreg $0xFFFFFFFF  }
0xae: {  	[dreg:$0x0] =	wrdreg $0x60  }
0xaf: {  	[dreg:$0x2] =	wrdreg s18  }
0xb0: {  	[dreg:$0x3] =	wrdreg s2  }
0xb1: {  	[dreg:$0x4] =	wrdreg s24  }
0xb2: {  	[dreg:$0x5] =	wrdreg $0xC3000  }
0xb3: {  	[dreg:$0x6] =	wrdreg $0x9  }
0xb4: {  	_ =	task.clear_ibuf [dreg:s8], $0x7FFFF;
	_ =	strace $0x90000046  }
0xb5: {  	s29 =	simm.s32 $0x9;
	_ =	strace $0x80000048  }
0xb6: {  	_ =	swait.ge [sflag:s29], $0x1  }
0xb7: {  	[sflag:s29] =	ssyncadd.s32 $0xFFFFFFFF  }
0xb8: {  	_ =	strace $0x90000048  }
0xb9: {  	_ =	sfence  }
0xba: {  	s30 =	sld [smem:$0x0];
	_ =	sdelay $0x2  }
0xbb: {  	s31 =	sshll.u32 s1, $0xD;
	s1 =	sshrl.u32 s1, $0x2  }
0xbc: {  	s3 =	sand.u32 $0x4000, s31;
	s1 =	sadd.s32 s1, s30  }
0xbd: {  	s0 =	sor.u32 s3, s0;
	s1 =	sshll.u32 s1, $0x11  }
0xbe: {  	s0 =	sor.u32 s1, s0  }
0xbf: {  	s0 =	sadd.s32 $0x8F2B, s0  }
0xc0: {  	[sflag:s0] =	ssyncadd.remote.s32 $0x1  }
0xc1: {  	_ =	sfence.sel $0xFFFF  }
0xc2: {  	[dreg:$0x0] =	wrdreg $0xFFFFFFFF;
	(pc) =	sbr.abs _section_cstart, $3  }
0xc3: {  	[dreg:$0x1] =	wrdreg $0xFFFFFFFF  }
0xc4: {  	_ =	task.clear_ibuf [dreg:s8], $0x2FFFF;
	_ =	strace $0x9FFFFFFF  }
0xc5: {  	(tm) =	ssettm $0x7FFFFFFF  }
tec
execute0_lowered:
.L_overlay_start_1:
0x0: {  	(tag) =	ssettag $0x1  }
0x1: {  	s1 =	rddreg [dreg:$0x0]  }
0x2: {  	s0 =	rddreg [dreg:$0x1]  }
0x3: {  	s3 =	rddreg [dreg:$0x2]  }
0x4: {  	s2 =	rddreg [dreg:$0x3];
	s5 =	srdreg.scid  }
0x5: {  	s14 =	stileid.u32;
	s4 =	simm.s32 $0x0;
	s28 =	simm.s32 $0x4300  }
0x6: {  	s29 =	simm.s32 $0x200;
	s30 =	simm.s32 $0x4;
	s31 =	simm.s32 $0x3  }
0x7: {  	s6 =	sand.u32 $0x1, s5;
	s22 =	sshll.u32 s14, $0x1;
	s10 =	smul.u32 $0x4E000, s14  }
0x8: {  	[smem:$0x7FF] =	sst s4;
	s23 =	sadd.s32 $0x2E00, s3;
	s13 =	smul.u32 $0x13800, s14  }
0x9: {  	s3 =	sadd.s32 $0x5600, s3;
	s26 =	sadd.s32 $0x138000, s2;
	s15 =	smul.u32 $0x9C, s14  }
0xa: {  	p0 =	sne.s32 s14, $0x0;
	p1 =	sgt.u32 s14, $0x1;
	s7 =	sor.u32 s6, s22  }
0xb: {  	_ =	strace $0x80000047;
	[dreg:$0x5] =	wrdreg s23;
	s12 =	smul.u32 $0x138800, s6  }
0xc: {  	s9 =	ssub.s32 $0x2, s6;
	[dreg:$0x9] =	wrdreg s26;
	s6 =	smul.u32 $0x4E, s6  }
0xd: {  	s8 =	smul.u32 $0x4E, s7;
	s11 =	sshrl.u32 s9, $0x1;
	s10 =	sshrl.u32 s10, $0x2  }
0xe: {  	s7 =	smin.u32 s7, $0x4;
	s9 =	ssub.s32 s9, s11;
	s10 =	sadd.s32 s10, s2  }
0xf: {  	s11 =	sadd.s32 s13, s12;
	s12 =	sshrl.u32 s12, $0x3;
	s8 =	sadd.s32 s7, s8  }
0x10: {  	[dreg:$0x8] =	wrdreg s10;
	s10 =	sshrl.u32 s11, $0x3;
	s11 =	sadd.s32 s3, s12  }
0x11: {  	s18 =	smax.u32 s9, $0x1;
	s9 =	simm.s32 $0x8;
	s12 =	simm.s32 $0x9  }
0x12: {  	s8 =	sshll.u32 s8, $0x5;
	s3 =	sadd.s32 s3, s10;
	[dreg:$0xd] =	wrdreg s18  }
0x13: {  	s13 =	sadd.s32 $0x27000, s11;
	s10 =	simm.s32 $0x6;
	[dreg:$0xb] =	wrdreg s3  }
0x14: {  	s11 =	simm.s32 $0x280;
	s24 =	sadd.s32 s0, s8;
	[dreg:$0xc] =	wrdreg s13  }
0x15: {  	s16 =	sadd.s32 $0x40, s8;
	s17 =	sadd.s32 $0x60, s8;
	s3 =	sadd.s32 s6, s15  }
0x16: {  	s23 =	sadd.s32 $0x80, s8;
	s8 =	sadd.s32 $0x9A0, s8;
	s13 =	simm.s32 $0x0  }
0x17: {  	s25 =	sadd.s32 $0x20, s24;
	[dreg:$0x6] =	wrdreg s24;
	s5 =	sadd.s32 $0x9C0, s24  }
0x18: {  	s19 =	sand.u32 $0x1FFFFFE0, s16;
	s20 =	sand.u32 $0x1FFFFFE0, s17;
	s3 =	sadd.s32 s7, s3  }
0x19: {  	s6 =	sand.u32 $0x1FFFFFE0, s23;
	s24 =	sand.u32 $0x1FFFFFE0, s8;
	[dreg:$0x7] =	wrdreg s25  }
0x1a: {  	s23 =	simm.s32 $0x80;
	[dreg:$0xa] =	wrdreg s5;
	s21 =	sadd.s32 s0, s19  }
0x1b: {  	s16 =	simm.s32 $0xA;
	s22 =	sadd.s32 s0, s20;
	[dreg:$0xe] =	wrdreg s21  }
0x1c: {  	s7 =	simm.s32 $0x5;
	s25 =	sadd.s32 s0, s6;
	[dreg:$0xf] =	wrdreg s22  }
0x1d: {  	s8 =	simm.s32 $0x180;
	s26 =	sadd.s32 s0, s24;
	[dreg:$0x10] =	wrdreg s25  }
0x1e: {  	s3 =	sshll.u32 s3, $0x5;
	s24 =	simm.s32 $0x300;
	[dreg:$0x11] =	wrdreg s26  }
0x1f: {  	s0 =	sadd.s32 s0, s3;
	s21 =	simm.s32 $0x100;
	s22 =	simm.s32 $0x1  }
0x20: {  	s26 =	simm.s32 $0x2;
	s3 =	simm.s32 $0x7;
	s18 =	sadd.s32 $0xE0, s0  }
0x21: {  	s19 =	sadd.s32 $0xC0, s0;
	s20 =	sadd.s32 $0xA0, s0;
	s0 =	simm.s32 $0x8300  }
.LBB2_1:
0x22: {  	s5 =	rddreg [dreg:$0x6]  }
0x23: {  	[tilespmem:s4], [sflag:$0x1] =	stream.linear.gather [hbm4b:s5+s4], $0x100, $0x38;
	[tilespmem:$0x1FB80] =	vst v63  }
0x24: {  	s6 =	rddreg [dreg:$0x7];
	s14 =	stileid.u32  }
0x25: {  	[tilespmem:s21], [sflag:$0x2] =	stream.linear.gather [hbm4b:s6+s4], $0x100, $0x38;
	[tilespmem:$0x1FB80] =	vst v63  }
0x26: {  	s6 =	sshll.u32 s14, $0x6;
	_ =	swait.ge [sflag:s22], $0x100  }
0x27: {  	s6 =	sor.u32 $0x1C0A, s6;
	[sflag:s22] =	ssyncset.done $0x0;
	s15 =	rddreg [dreg:$0x8]  }
0x28: {  	s5 =	rddreg [dreg:$0x5];
	[sflag:s22] =	ssyncadd.s32 $0xFFFFFF00;
	s14 =	sshrl.u32 s15, $0x3  }
0x29: {  	[tilespmem:s24], [sflag:$0x4] =	stream.indirect.gather [hbm4b:s1+s23], $0x80, s4, s23, $0xb8;
	[tilespmem:$0x1FB80] =	vst v63  }
0x2a: {  	[spmem:s14], [sflag:s6] =	dma.local [hbm:s5], $0x2700  }
0x2b: {  	_ =	swait.ge [sflag:s16], $0x2700  }
0x2c: {  	[sflag:s16] =	ssyncset.done $0x0;
	s15 =	rddreg [dreg:$0x9]  }
0x2d: {  	[sflag:s16] =	ssyncadd.s32 $0xFFFFD900;
	s15 =	sshrl.u32 @!p0 s15, $0x3;
	s16 =	simm.s32 @!p0 $0xA  }
0x2e: {  	[spmem:s15], [sflag:s6] =	dma.local @!p0 [hbm:s5], $0x100  }
0x2f: {  	_ =	swait.ge @!p0 [sflag:s16], $0x100  }
0x30: {  	[sflag:s16] =	ssyncset.done @!p0 $0x0  }
0x31: {  	[sflag:s16] =	ssyncadd.s32 @!p0 $0xFFFFFF00  }
0x32: {  	[bflag:$0x0] =	sbarrier.arrive $0xFFFF  }
0x33: {  	_ =	swait.ge [sflag:s26], $0x100  }
0x34: {  	[sflag:s26] =	ssyncset.done $0x0  }
0x35: {  	[sflag:s26] =	ssyncadd.s32 $0xFFFFFF00  }
0x36: {  	[tilespmem:s28], [sflag:$0x5] =	stream.indirect.gather [hbm4b:s1+s23], $0x80, s21, s23, $0xb8;
	[tilespmem:$0x1FB80] =	vst v63  }
0x37: {  	s16 =	rddreg [dreg:$0xe]  }
0x38: {  	[tilespmem:s29], [sflag:$0x3] =	stream.linear.gather [hbm4b:s16+s4], $0x100, $0x38;
	[tilespmem:$0x1FB80] =	vst v63  }
0x39: {  	_ =	swait.ge [sflag:s30], $0x4000  }
0x3a: {  	[sflag:s30] =	ssyncset.done $0x0  }
0x3b: {  	[sflag:s30] =	ssyncadd.s32 $0xFFFFC000  }
0x3c: {  	[spmem:s2] =	stream.indirect.scatter.add.f32 [tilespmem:s24], [sflag:$0x7], $0x80, s23, s23, $0xb8;
	[tilespmem:$0x1FB80] =	vst v63  }
0x3d: {  	_ =	swait.ge [sflag:s31], $0x100  }
0x3e: {  	[sflag:s31] =	ssyncset.done $0x0  }
0x3f: {  	[sflag:s31] =	ssyncadd.s32 $0xFFFFFF00  }
0x40: {  	[tilespmem:s0], [sflag:$0x6] =	stream.indirect.gather [hbm4b:s1+s23], $0x80, s29, s23, $0xb8;
	[tilespmem:$0x1FB80] =	vst v63  }
0x41: {  	_ =	swait.ge [sflag:s3], $0x4000  }
0x42: {  	[sflag:s3] =	ssyncset.done $0x0  }
0x43: {  	s17 =	rddreg [dreg:$0xf];
	[sflag:s3] =	ssyncadd.s32 $0xFFFFC000  }
0x44: {  	[tilespmem:s4], [sflag:$0x1] =	stream.linear.gather [hbm4b:s17+s4], $0x100, $0x38;
	[tilespmem:$0x1FB80] =	vst v63  }
0x45: {  	_ =	swait.ge [sflag:s7], $0x4000  }
0x46: {  	[sflag:s7] =	ssyncset.done $0x0  }
0x47: {  	[sflag:s7] =	ssyncadd.s32 $0xFFFFC000  }
0x48: {  	[spmem:s2] =	stream.indirect.scatter.add.f32 [tilespmem:s28], [sflag:$0x8], $0x80, s8, s23, $0xb8;
	[tilespmem:$0x1FB80] =	vst v63  }
0x49: {  	_ =	swait.ge [sflag:s22], $0x100  }
0x4a: {  	[sflag:s22] =	ssyncset.done $0x0  }
0x4b: {  	[sflag:s22] =	ssyncadd.s32 $0xFFFFFF00  }
0x4c: {  	[tilespmem:s24], [sflag:$0x4] =	stream.indirect.gather [hbm4b:s1+s23], $0x80, s4, s23, $0xb8;
	[tilespmem:$0x1FB80] =	vst v63  }
0x4d: {  	_ =	swait.ge [sflag:s9], $0x4000  }
0x4e: {  	[sflag:s9] =	ssyncset.done $0x0  }
0x4f: {  	s25 =	rddreg [dreg:$0x10];
	[sflag:s9] =	ssyncadd.s32 $0xFFFFC000  }
0x50: {  	[tilespmem:s21], [sflag:$0x2] =	stream.linear.gather [hbm4b:s25+s4], $0x100, $0x38;
	[tilespmem:$0x1FB80] =	vst v63  }
0x51: {  	_ =	swait.ge [sflag:s10], $0x4000  }
0x52: {  	[sflag:s10] =	ssyncset.done $0x0  }
0x53: {  	[sflag:s10] =	ssyncadd.s32 $0xFFFFC000  }
0x54: {  	[spmem:s2] =	stream.indirect.scatter.add.f32 [tilespmem:s0], [sflag:$0x9], $0x80, s11, s23, $0xb8;
	[tilespmem:$0x1FB80] =	vst v63  }
0x55: {  	_ =	swait.ge [sflag:s26], $0x100  }
0x56: {  	[sflag:s26] =	ssyncset.done $0x0  }
0x57: {  	[sflag:s26] =	ssyncadd.s32 $0xFFFFFF00  }
0x58: {  	[tilespmem:s28], [sflag:$0x5] =	stream.indirect.gather [hbm4b:s1+s23], $0x80, s21, s23, $0xb8;
	[tilespmem:$0x1FB80] =	vst v63  }
0x59: {  	_ =	swait.ge [sflag:s12], $0x4000  }
0x5a: {  	[sflag:s12] =	ssyncset.done $0x0  }
0x5b: {  	s5 =	sadd.s32 $0x0, s20;
	[sflag:s12] =	ssyncadd.s32 $0xFFFFC000  }
0x5c: {  	[tilespmem:s29], [sflag:$0x3] =	stream.linear.gather [hbm4b:s5+s4], $0x100, $0x38;
	[tilespmem:$0x1FB80] =	vst v63  }
0x5d: {  	_ =	swait.ge [sflag:s30], $0x4000  }
0x5e: {  	[sflag:s30] =	ssyncset.done $0x0  }
0x5f: {  	[sflag:s30] =	ssyncadd.s32 $0xFFFFC000  }
0x60: {  	[spmem:s2] =	stream.indirect.scatter.add.f32 [tilespmem:s24], [sflag:$0x7], $0x80, s23, s23, $0xb8;
	[tilespmem:$0x1FB80] =	vst v63  }
0x61: {  	_ =	swait.ge [sflag:s31], $0x100  }
0x62: {  	[sflag:s31] =	ssyncset.done $0x0  }
0x63: {  	[sflag:s31] =	ssyncadd.s32 $0xFFFFFF00  }
0x64: {  	[tilespmem:s0], [sflag:$0x6] =	stream.indirect.gather [hbm4b:s1+s23], $0x80, s29, s23, $0xb8;
	[tilespmem:$0x1FB80] =	vst v63  }
0x65: {  	_ =	swait.ge [sflag:s3], $0x4000  }
0x66: {  	[sflag:s3] =	ssyncset.done $0x0  }
0x67: {  	s17 =	sadd.s32 $0x0, s19;
	[sflag:s3] =	ssyncadd.s32 $0xFFFFC000  }
0x68: {  	[tilespmem:s4], [sflag:$0x1] =	stream.linear.gather [hbm4b:s17+s4], $0x100, $0x38;
	[tilespmem:$0x1FB80] =	vst v63  }
0x69: {  	_ =	swait.ge [sflag:s7], $0x4000  }
0x6a: {  	[sflag:s7] =	ssyncset.done $0x0  }
0x6b: {  	[sflag:s7] =	ssyncadd.s32 $0xFFFFC000  }
0x6c: {  	[spmem:s2] =	stream.indirect.scatter.add.f32 [tilespmem:s28], [sflag:$0x8], $0x80, s8, s23, $0xb8;
	[tilespmem:$0x1FB80] =	vst v63  }
0x6d: {  	_ =	swait.ge [sflag:s22], $0x100  }
0x6e: {  	[sflag:s22] =	ssyncset.done $0x0  }
0x6f: {  	[sflag:s22] =	ssyncadd.s32 $0xFFFFFF00  }
0x70: {  	[tilespmem:s24], [sflag:$0x4] =	stream.indirect.gather [hbm4b:s1+s23], $0x80, s4, s23, $0xb8;
	[tilespmem:$0x1FB80] =	vst v63  }
0x71: {  	_ =	swait.ge [sflag:s9], $0x4000  }
0x72: {  	[sflag:s9] =	ssyncset.done $0x0  }
0x73: {  	s25 =	sadd.s32 $0x0, s18;
	[sflag:s9] =	ssyncadd.s32 $0xFFFFC000  }
0x74: {  	[tilespmem:s21], [sflag:$0x2] =	stream.linear.gather [hbm4b:s25+s4], $0x100, $0x38;
	[tilespmem:$0x1FB80] =	vst v63  }
0x75: {  	_ =	swait.ge [sflag:s10], $0x4000  }
0x76: {  	[sflag:s10] =	ssyncset.done $0x0  }
0x77: {  	s16 =	simm.s32 $0x60;
	[sflag:s10] =	ssyncadd.s32 $0xFFFFC000  }
.LBB2_2:
0x78: {  	[spmem:s2] =	stream.indirect.scatter.add.f32 [tilespmem:s0], [sflag:$0x9], $0x80, s11, s23, $0xb8;
	[tilespmem:$0x1FB80] =	vst v63  }
0x79: {  	s17 =	smov.u32 s16  }
0x7a: {  	p2 =	sne.s32 s16, $0x8A0;
	s16 =	sadd.s32 $0x60, s16;
	_ =	swait.ge [sflag:s26], $0x100  }
0x7b: {  	[sflag:s26] =	ssyncset.done $0x0  }
0x7c: {  	[sflag:s26] =	ssyncadd.s32 $0xFFFFFF00  }
0x7d: {  	[tilespmem:s28], [sflag:$0x5] =	stream.indirect.gather [hbm4b:s1+s23], $0x80, s21, s23, $0xb8;
	[tilespmem:$0x1FB80] =	vst v63  }
0x7e: {  	_ =	swait.ge [sflag:s12], $0x4000  }
0x7f: {  	[sflag:s12] =	ssyncset.done $0x0  }
0x80: {  	s5 =	sadd.s32 s17, s20;
	[sflag:s12] =	ssyncadd.s32 $0xFFFFC000  }
0x81: {  	[tilespmem:s29], [sflag:$0x3] =	stream.linear.gather [hbm4b:s5+s4], $0x100, $0x38;
	[tilespmem:$0x1FB80] =	vst v63  }
0x82: {  	_ =	swait.ge [sflag:s30], $0x4000  }
0x83: {  	[sflag:s30] =	ssyncset.done $0x0  }
0x84: {  	[sflag:s30] =	ssyncadd.s32 $0xFFFFC000  }
0x85: {  	[spmem:s2] =	stream.indirect.scatter.add.f32 [tilespmem:s24], [sflag:$0x7], $0x80, s23, s23, $0xb8;
	[tilespmem:$0x1FB80] =	vst v63  }
0x86: {  	_ =	swait.ge [sflag:s31], $0x100  }
0x87: {  	[sflag:s31] =	ssyncset.done $0x0  }
0x88: {  	[sflag:s31] =	ssyncadd.s32 $0xFFFFFF00  }
0x89: {  	[tilespmem:s0], [sflag:$0x6] =	stream.indirect.gather [hbm4b:s1+s23], $0x80, s29, s23, $0xb8;
	[tilespmem:$0x1FB80] =	vst v63  }
0x8a: {  	_ =	swait.ge [sflag:s3], $0x4000  }
0x8b: {  	[sflag:s3] =	ssyncset.done $0x0  }
0x8c: {  	s5 =	sadd.s32 s17, s19;
	[sflag:s3] =	ssyncadd.s32 $0xFFFFC000  }
0x8d: {  	[tilespmem:s4], [sflag:$0x1] =	stream.linear.gather [hbm4b:s5+s4], $0x100, $0x38;
	[tilespmem:$0x1FB80] =	vst v63  }
0x8e: {  	_ =	swait.ge [sflag:s7], $0x4000  }
0x8f: {  	[sflag:s7] =	ssyncset.done $0x0  }
0x90: {  	[sflag:s7] =	ssyncadd.s32 $0xFFFFC000  }
0x91: {  	[spmem:s2] =	stream.indirect.scatter.add.f32 [tilespmem:s28], [sflag:$0x8], $0x80, s8, s23, $0xb8;
	[tilespmem:$0x1FB80] =	vst v63  }
0x92: {  	_ =	swait.ge [sflag:s22], $0x100  }
0x93: {  	[sflag:s22] =	ssyncset.done $0x0  }
0x94: {  	[sflag:s22] =	ssyncadd.s32 $0xFFFFFF00  }
0x95: {  	[tilespmem:s24], [sflag:$0x4] =	stream.indirect.gather [hbm4b:s1+s23], $0x80, s4, s23, $0xb8;
	[tilespmem:$0x1FB80] =	vst v63  }
0x96: {  	_ =	swait.ge [sflag:s9], $0x4000  }
0x97: {  	[sflag:s9] =	ssyncset.done $0x0  }
.Ltmp0:
0x98: {  	s5 =	sadd.s32 s17, s18;
	[sflag:s9] =	ssyncadd.s32 $0xFFFFC000;
	(pc) =	sbr.rel @p2 .LBB2_2-.Ltmp0, $4  }
0x99: {  	[tilespmem:s21], [sflag:$0x2] =	stream.linear.gather [hbm4b:s5+s4], $0x100, $0x38;
	[tilespmem:$0x1FB80] =	vst v63  }
0x9a: {  	_ =	swait.ge [sflag:s10], $0x4000  }
0x9b: {  	[sflag:s10] =	ssyncset.done $0x0  }
0x9c: {  	[sflag:s10] =	ssyncadd.s32 $0xFFFFC000  }
0x9d: {  	[spmem:s2] =	stream.indirect.scatter.add.f32 [tilespmem:s0], [sflag:$0x9], $0x80, s11, s23, $0xb8;
	[tilespmem:$0x1FB80] =	vst v63  }
0x9e: {  	_ =	swait.ge [sflag:s26], $0x100  }
0x9f: {  	[sflag:s26] =	ssyncset.done $0x0  }
0xa0: {  	[sflag:s26] =	ssyncadd.s32 $0xFFFFFF00  }
0xa1: {  	[tilespmem:s28], [sflag:$0x5] =	stream.indirect.gather [hbm4b:s1+s23], $0x80, s21, s23, $0xb8;
	[tilespmem:$0x1FB80] =	vst v63  }
0xa2: {  	_ =	swait.ge [sflag:s12], $0x4000  }
0xa3: {  	[sflag:s12] =	ssyncset.done $0x0  }
0xa4: {  	s5 =	rddreg [dreg:$0x11];
	[sflag:s12] =	ssyncadd.s32 $0xFFFFC000  }
0xa5: {  	[tilespmem:s29], [sflag:$0x3] =	stream.linear.gather [hbm4b:s5+s4], $0x100, $0x38;
	[tilespmem:$0x1FB80] =	vst v63  }
0xa6: {  	_ =	swait.ge [sflag:s30], $0x4000  }
0xa7: {  	[sflag:s30] =	ssyncset.done $0x0  }
0xa8: {  	[sflag:s30] =	ssyncadd.s32 $0xFFFFC000  }
0xa9: {  	[spmem:s2] =	stream.indirect.scatter.add.f32 [tilespmem:s24], [sflag:$0x7], $0x80, s23, s23, $0xb8;
	[tilespmem:$0x1FB80] =	vst v63  }
0xaa: {  	_ =	swait.ge [sflag:s31], $0x100  }
0xab: {  	[sflag:s31] =	ssyncset.done $0x0  }
0xac: {  	[sflag:s31] =	ssyncadd.s32 $0xFFFFFF00  }
0xad: {  	[tilespmem:s0], [sflag:$0x6] =	stream.indirect.gather [hbm4b:s1+s23], $0x80, s29, s23, $0xb8;
	[tilespmem:$0x1FB80] =	vst v63  }
0xae: {  	_ =	swait.ge [sflag:s3], $0x4000  }
0xaf: {  	[sflag:s3] =	ssyncset.done $0x0  }
0xb0: {  	[sflag:s3] =	ssyncadd.s32 $0xFFFFC000  }
0xb1: {  	_ =	swait.ge [sflag:s7], $0x4000  }
0xb2: {  	[sflag:s7] =	ssyncset.done $0x0  }
0xb3: {  	[sflag:s7] =	ssyncadd.s32 $0xFFFFC000  }
0xb4: {  	[spmem:s2] =	stream.indirect.scatter.add.f32 [tilespmem:s28], [sflag:$0x8], $0x80, s8, s23, $0xb8;
	[tilespmem:$0x1FB80] =	vst v63  }
0xb5: {  	_ =	swait.ge [sflag:s9], $0x4000  }
0xb6: {  	[sflag:s9] =	ssyncset.done $0x0  }
0xb7: {  	[sflag:s9] =	ssyncadd.s32 $0xFFFFC000  }
0xb8: {  	_ =	swait.ge [sflag:s10], $0x4000  }
0xb9: {  	[sflag:s10] =	ssyncset.done $0x0  }
0xba: {  	[sflag:s10] =	ssyncadd.s32 $0xFFFFC000  }
0xbb: {  	[spmem:s2] =	stream.indirect.scatter.add.f32 [tilespmem:s0], [sflag:$0x9], $0x80, s11, s23, $0xb8;
	[tilespmem:$0x1FB80] =	vst v63  }
0xbc: {  	_ =	swait.ge [sflag:s12], $0x4000  }
0xbd: {  	[sflag:s12] =	ssyncset.done $0x0  }
0xbe: {  	s5 =	simm.s32 @!p1 $0x0;
	s16 =	rddreg [dreg:$0xa];
	[sflag:s12] =	ssyncadd.s32 $0xFFFFC000  }
0xbf: {  	[tilespmem:s5], [sflag:$0xA] =	stream.linear.gather @!p1 [hbm4b:s16+s5], $0x100, $0x38;
	[tilespmem:$0x1FB80] =	vst v63  }
0xc0: {  	s16 =	simm.s32 @!p1 $0xA  }
0xc1: {  	_ =	swait.ge @!p1 [sflag:s16], $0x100  }
0xc2: {  	[sflag:s16] =	ssyncset.done @!p1 $0x0  }
0xc3: {  	s17 =	simm.s32 @!p1 $0x80;
	s25 =	simm.s32 @!p1 $0x300;
	[sflag:s16] =	ssyncadd.s32 @!p1 $0xFFFFFF00  }
0xc4: {  	[tilespmem:s25], [sflag:$0x4] =	stream.indirect.gather @!p1 [hbm4b:s1+s17], $0x80, s5, s17, $0xb8;
	[tilespmem:$0x1FB80] =	vst v63  }
0xc5: {  	s5 =	simm.s32 @!p1 $0x4  }
0xc6: {  	_ =	swait.ge @!p1 [sflag:s5], $0x4000  }
0xc7: {  	[sflag:s5] =	ssyncset.done @!p1 $0x0  }
0xc8: {  	[sflag:s5] =	ssyncadd.s32 @!p1 $0xFFFFC000  }
0xc9: {  	[spmem:s2] =	stream.indirect.scatter.add.f32 @!p1 [tilespmem:s25], [sflag:$0xA], $0x80, s17, s17, $0xb8;
	[tilespmem:$0x1FB80] =	vst v63  }
0xca: {  	_ =	swait.ge @!p1 [sflag:s16], $0x4000  }
0xcb: {  	[sflag:s16] =	ssyncset.done @!p1 $0x0  }
0xcc: {  	[sflag:s16] =	ssyncadd.s32 @!p1 $0xFFFFC000  }
0xcd: {  	[bflag:$0x0] =	sbarrier.arrive $0xFFFF  }
0xce: {  	s16 =	simm.s32 $0xA;
	s17 =	rddreg [dreg:$0xb]  }
0xcf: {  	[hbm:s17], [sflag:s6] =	dma.local [spmem:s14], $0x2700  }
0xd0: {  	_ =	swait.ge [sflag:s16], $0x2700  }
0xd1: {  	[sflag:s16] =	ssyncset.done $0x0  }
0xd2: {  	s5 =	rddreg [dreg:$0xc];
	[sflag:s16] =	ssyncadd.s32 $0xFFFFD900  }
0xd3: {  	[hbm:s5], [sflag:s6] =	dma.local @!p0 [spmem:s15], $0x100  }
0xd4: {  	s5 =	simm.s32 @!p0 $0xA  }
0xd5: {  	_ =	swait.ge @!p0 [sflag:s5], $0x100  }
0xd6: {  	s13 =	sadd.s32 $0x1, s13;
	s25 =	rddreg [dreg:$0xd]  }
0xd7: {  	p2 =	sne.s32 s13, s25  }
.Ltmp1:
0xd8: {  	_ = 	snop;
	(pc) =	sbr.rel @p2 .LBB2_1-.Ltmp1, $3  }
0xd9: {  	_ =	sdelay $0x1  }
0xda: {  	[sflag:s5] =	ssyncset.done @!p0 $0x0  }
0xdb: {  	[sflag:s5] =	ssyncadd.s32 @!p0 $0xFFFFFF00  }
0xdc: {  	_ =	sfence.sel $0x180000  }
0xdd: {  	[bflag:$0x0] =	sbarrier.arrive $0xFFFF  }
0xde: {  	_ =	strace $0x90000047  }
0xdf: {  	[bflag:$0x2] =	sbarrier.arrive $0xFFFF  }
0xe0: {  	s0 =	rddreg [dreg:$0x4]  }
0xe1: {  	s0 =	sadd.s32 @!p0 $0x100000, s0  }
0xe2: {  	[sflag:s0] =	ssyncadd.tile.s32 @!p0 $0x1;
	_ =	shalt  }
.Lfunc_end2:
_tile_overlayer_lowered:
.L_overlay_start_2:
0xe3: {  	(tag) =	ssettag $0x2  }
0xe4: {  	s0 =	rddreg [dreg:$0x0];
	s2 =	stileid.u32  }
0xe5: {  	s1 =	rddreg [dreg:$0x1];
	p0 =	sne.s32 s2, $0x0  }
0xe6: {  	s3 =	rddreg [dreg:$0x2];
	[bflag:$0x3] =	sbarrier.arrive $0xFFFF;
	s2 =	simm.s32 @!p0 $0x1C0A  }
0xe7: {  	[timem:s3], [sflag:s2] =	dma.local @!p0 [hbm:s0], s1  }
0xe8: {  	s0 =	simm.s32 @!p0 $0xA  }
0xe9: {  	_ =	swait.ge @!p0 [sflag:s0], s1  }
0xea: {  	s1 =	ssub.s32 @!p0 $0x0, s1;
	[sflag:s0] =	ssyncset.done @!p0 $0x0  }
0xeb: {  	[sflag:s0] =	ssyncadd.s32 @!p0 s1  }
0xec: {  	[bflag:$0x3] =	sbarrier.arrive $0xFFFF  }
0xed: {  	_ =	shalt  }

</sc_bundles>
